<compile_context>
chip_gen: v7x
topology: tpu7x:2x2x1
jax: 0.10.2.dev20260603
libtpu: 0.0.44.dev20260713+nightly
codegen_flags: <defaults>
</compile_context>

<pallas_src>
import jax
import jax.numpy as jnp
from jax import lax
from jax.experimental import pallas as pl
from jax.experimental.pallas import tpu as pltpu
from jax.experimental.pallas import tpu_sc as plsc

_N = 10000
_E = 320000
_D = 128
_NCORES = 2
_NSUB = 16
_NW = _NCORES * _NSUB
_K = 128
_NB = 2
_CHUNKS = 80
_TOT_CH = _CHUNKS * _NW
_E_PAD = _TOT_CH * _K
_CH_FAST = 80
_CH_SLOW = 80
_FAST_CORE = 1
_SLACK_CH = _CH_FAST - _CH_SLOW
_E_SLAB = (_TOT_CH + _SLACK_CH) * _K
_N_PAD = 10112
_RPT = _N_PAD // _NSUB

_HIGH = lax.Precision.HIGHEST



def _make_sc_agg(width):
    mesh = plsc.VectorSubcoreMesh(core_axis_name="c", subcore_axis_name="s")

    def body(m_hbm, src_hbm, dst_hbm, zs_hbm, s_out,
             srcr_0, srcr_1, rows_0, rows_1, dst_v, s_sh, *sems):
        srcr = [srcr_0, srcr_1]
        rows = [rows_0, rows_1]
        isems = sems[:_NB]
        gsems = sems[_NB:2 * _NB]
        ssems = sems[2 * _NB:]
        c = lax.axis_index("c")
        s = lax.axis_index("s")
        r0 = pl.multiple_of(s * _RPT, 8)
        fast = c == _FAST_CORE
        nch = jnp.where(fast, _CH_FAST, _CH_SLOW)
        start = pl.multiple_of(
            jnp.where(fast, s * _CH_FAST, _NSUB * _CH_FAST + s * _CH_SLOW), 8)
        pltpu.sync_copy(dst_hbm.at[pl.ds(start, _CH_FAST)], dst_v)
        pltpu.sync_copy(zs_hbm.at[pl.ds(r0, _RPT)], s_sh.at[pl.ds(r0, _RPT)])
        plsc.subcore_barrier()

        def fire_idx(i, b):
            off = pl.multiple_of((start + i) * _K, 8)
            pltpu.async_copy(src_hbm.at[pl.ds(off, _K)], srcr[b], isems[b])

        def wait_idx(b):
            pltpu.make_async_copy(
                src_hbm.at[pl.ds(0, _K)], srcr[b], isems[b]).wait()

        def fire_gather(b):
            pltpu.async_copy(m_hbm.at[srcr[b]], rows[b], gsems[b])

        def drain_gather(b):
            pltpu.make_async_copy(
                m_hbm.at[pl.ds(0, _K)], rows[b], gsems[b]).wait()

        def fire_scatter(i, b):
            pltpu.async_copy(rows[b], s_sh.at[dst_v.at[i]], ssems[b],
                             add=True)

        def drain_scatter(b):
            pltpu.make_async_copy(
                m_hbm.at[pl.ds(0, _K)], rows[b], ssems[b]).wait()

        for b in range(_NB):
            fire_idx(b, b)

        def outer(j, carry):
            for b in range(_NB):
                i = j * _NB + b

                @pl.when(j > 0)
                def _():
                    drain_scatter(b)

                wait_idx(b)
                fire_gather(b)
                drain_gather(b)
                fire_scatter(i, b)

                @pl.when(i + _NB < nch)
                def _():
                    fire_idx(i + _NB, b)
            return carry

        lax.fori_loop(0, nch // _NB, outer, 0)
        for b in range(_NB):
            drain_scatter(b)
        plsc.subcore_barrier()
        o0 = pl.multiple_of(c * _N_PAD + r0, 8)
        pltpu.sync_copy(s_sh.at[pl.ds(r0, _RPT)], s_out.at[pl.ds(o0, _RPT)])

    return pl.kernel(
        body,
        out_type=[jax.ShapeDtypeStruct((_NCORES * _N_PAD, width), jnp.float32)],
        mesh=mesh,
        scratch_types=[
            pltpu.VMEM((_K,), jnp.int32),
            pltpu.VMEM((_K,), jnp.int32),
            pltpu.VMEM((_K, width), jnp.float32),
            pltpu.VMEM((_K, width), jnp.float32),
            pltpu.VMEM((_CH_FAST, _K), jnp.int32),
            pltpu.VMEM_SHARED((_N_PAD, width), jnp.float32),
        ] + [pltpu.SemaphoreType.DMA] * (3 * _NB),
    )


def _make_sc_cnt():
    mesh = plsc.VectorSubcoreMesh(core_axis_name="c", subcore_axis_name="s")

    def body(dst_hbm, zs_hbm, ones_hbm, c_out, dst_v, ones_v, c_sh):
        c = lax.axis_index("c")
        s = lax.axis_index("s")
        wid = c * _NSUB + s
        r0 = pl.multiple_of(s * _RPT, 8)
        w0 = pl.multiple_of(wid * _CHUNKS, 8)
        pltpu.sync_copy(dst_hbm.at[pl.ds(w0, _CHUNKS)], dst_v)
        pltpu.sync_copy(zs_hbm.at[pl.ds(r0, _RPT)], c_sh.at[pl.ds(r0, _RPT)])
        pltpu.sync_copy(ones_hbm, ones_v)
        plsc.subcore_barrier()

        def step(i, carry):
            pltpu.sync_copy(ones_v, c_sh.at[dst_v.at[i]], add=True)
            return carry

        lax.fori_loop(0, _CHUNKS, step, 0)
        plsc.subcore_barrier()
        o0 = pl.multiple_of(c * _N_PAD + r0, 8)
        pltpu.sync_copy(c_sh.at[pl.ds(r0, _RPT)], c_out.at[pl.ds(o0, _RPT)])

    return pl.kernel(
        body,
        out_type=[jax.ShapeDtypeStruct((_NCORES * _N_PAD, _D), jnp.float32)],
        mesh=mesh,
        scratch_types=[
            pltpu.VMEM((_CHUNKS, _K), jnp.int32),
            pltpu.VMEM((_K, _D), jnp.float32),
            pltpu.VMEM_SHARED((_N_PAD, _D), jnp.float32),
        ],
    )


_SC_CACHE = {}


def _sc_agg(m, src, dst, zs):
    if "agg" not in _SC_CACHE:
        _SC_CACHE["agg"] = _make_sc_agg(_D)
    return _SC_CACHE["agg"](m, src, dst, zs)[0]


def _sc_cnt(dst, zs, ones):
    if "cnt" not in _SC_CACHE:
        _SC_CACHE["cnt"] = _make_sc_cnt()
    return _SC_CACHE["cnt"](dst, zs, ones)[0]



_BN = 2000


def _row_spec(w):
    return pl.BlockSpec((_BN, w), lambda i: (i, 0))


def _full_spec(shape):
    return pl.BlockSpec(shape, lambda i: tuple(0 for _ in shape))


def _dot(a, b):
    return jnp.dot(a, b, preferred_element_type=jnp.float32, precision=_HIGH)


def _msg_kernel(x_ref, w_ref, b_ref, o_ref):
    o_ref[...] = jnp.maximum(_dot(x_ref[...], w_ref[...]) + b_ref[...], 0.0)


def _tc_msg(x, w, b):
    return pl.pallas_call(
        _msg_kernel,
        grid=(_N // _BN,),
        in_specs=[_row_spec(_D), _full_spec((_D, _D)), _full_spec((1, _D))],
        out_specs=_row_spec(_D),
        out_shape=jax.ShapeDtypeStruct((_N, _D), jnp.float32),
    )(x, w, b)


def _mid_kernel(s0_ref, s1_ref, c0_ref, c1_ref, x_ref,
                awm_ref, awx_ref, ab_ref, lw_ref, lb_ref,
                h_ref, m_ref):
    cnt = c0_ref[...] + c1_ref[...]
    mean = (s0_ref[...] + s1_ref[...]) / jnp.maximum(cnt, 1.0)
    h = jnp.maximum(_dot(mean, awm_ref[...]) + _dot(x_ref[...], awx_ref[...])
                    + ab_ref[...], 0.0)
    nrm = jnp.maximum(jnp.sqrt(jnp.sum(h * h, axis=-1, keepdims=True)), 1e-12)
    h = h / nrm
    h_ref[...] = h
    m_ref[...] = jnp.maximum(_dot(h, lw_ref[...]) + lb_ref[...], 0.0)


def _tc_mid(s0, s1, c0, c1, x, awm, awx, ab, lw, lb):
    return pl.pallas_call(
        _mid_kernel,
        grid=(_N // _BN,),
        in_specs=[_row_spec(_D), _row_spec(_D), _row_spec(1), _row_spec(1),
                  _row_spec(_D), _full_spec((_D, _D)), _full_spec((_D, _D)),
                  _full_spec((1, _D)), _full_spec((_D, _D)), _full_spec((1, _D))],
        out_specs=[_row_spec(_D), _row_spec(_D)],
        out_shape=[jax.ShapeDtypeStruct((_N, _D), jnp.float32),
                   jax.ShapeDtypeStruct((_N, _D), jnp.float32)],
    )(s0, s1, c0, c1, x, awm, awx, ab, lw, lb)


def _fin_kernel(s0_ref, s1_ref, c0_ref, c1_ref, h_ref,
                awm_ref, awh_ref, ab_ref, pw1_ref, pb1_ref, pw2_ref, pb2_ref,
                o_ref):
    cnt = c0_ref[...] + c1_ref[...]
    mean = (s0_ref[...] + s1_ref[...]) / jnp.maximum(cnt, 1.0)
    h2 = jnp.maximum(_dot(mean, awm_ref[...]) + _dot(h_ref[...], awh_ref[...])
                     + ab_ref[...], 0.0)
    nrm = jnp.maximum(jnp.sqrt(jnp.sum(h2 * h2, axis=-1, keepdims=True)), 1e-12)
    h2 = h2 / nrm
    g = _dot(h2, pw1_ref[...]) + pb1_ref[...]
    o = _dot(g, pw2_ref[...]) + pb2_ref[...]
    mx = jnp.max(o, axis=-1, keepdims=True)
    z = o - mx
    o_ref[...] = z - jnp.log(jnp.sum(jnp.exp(z), axis=-1, keepdims=True))


def _tc_fin(s0, s1, c0, c1, h, awm, awh, ab, pw1, pb1, pw2, pb2):
    return pl.pallas_call(
        _fin_kernel,
        grid=(_N // _BN,),
        in_specs=[_row_spec(_D), _row_spec(_D), _row_spec(1), _row_spec(1),
                  _row_spec(_D), _full_spec((_D, _D)), _full_spec((_D, _D)),
                  _full_spec((1, _D)), _full_spec((_D, _D)), _full_spec((1, _D)),
                  _full_spec((_D, _D)), _full_spec((1, _D))],
        out_specs=_row_spec(_D),
        out_shape=jax.ShapeDtypeStruct((_N, _D), jnp.float32),
    )(s0, s1, c0, c1, h, awm, awh, ab, pw1, pb1, pw2, pb2)



def kernel(x, edge_index, lin_W0, lin_b0, agg_W0, agg_b0,
           lin_W1, lin_b1, agg_W1, agg_b1,
           post_W1, post_b1, post_W2, post_b2):
    d_out = post_W2.shape[1]

    src = edge_index[0].astype(jnp.int32)
    dst = edge_index[1].astype(jnp.int32)
    pad = _E_SLAB - _E
    src_p = jnp.concatenate([src, jnp.zeros((pad,), jnp.int32)])
    pad_dst = _N + jnp.arange(pad, dtype=jnp.int32) % (_N_PAD - _N)
    dst_p = jnp.concatenate([dst, pad_dst]).reshape(-1, _K)
    zeros_s = jnp.zeros((_N_PAD, _D), jnp.float32)
    ones = jnp.ones((_K, _D), jnp.float32)

    lb0 = lin_b0.reshape(1, _D)
    ab0 = agg_b0.reshape(1, _D)
    lb1 = lin_b1.reshape(1, _D)
    ab1 = agg_b1.reshape(1, _D)
    pb1 = post_b1.reshape(1, _D)
    aw0m, aw0x = agg_W0[:_D], agg_W0[_D:]
    aw1m, aw1h = agg_W1[:_D], agg_W1[_D:]
    pw2 = jnp.zeros((_D, _D), jnp.float32).at[:, :d_out].set(post_W2)
    pb2 = jnp.full((1, _D), -1e30, jnp.float32).at[0, :d_out].set(post_b2)

    c_p = _sc_cnt(dst_p, zeros_s, ones).reshape(_NCORES, _N_PAD, _D)
    c0, c1 = c_p[0, :_N, :1], c_p[1, :_N, :1]
    m0 = _tc_msg(x, lin_W0, lb0)
    s_p = _sc_agg(m0, src_p, dst_p, zeros_s).reshape(_NCORES, _N_PAD, _D)
    s0, s1 = s_p[0, :_N], s_p[1, :_N]
    h, m1 = _tc_mid(s0, s1, c0, c1, x, aw0m, aw0x, ab0, lin_W1, lb1)

    t_p = _sc_agg(m1, src_p, dst_p, zeros_s).reshape(_NCORES, _N_PAD, _D)
    o = _tc_fin(t_p[0, :_N], t_p[1, :_N], c0, c1, h,
                aw1m, aw1h, ab1, post_W1, pb1, pw2, pb2)
    return o[:, :d_out]

# --- scband reference (transcript-rebuilt; emitter-appended) ---
"""Pipeline reference for scband-gnnstack-81561428951870 (READ-ONLY COPY).

The authoritative reference and input builder live on the scoring server;
editing this copy changes nothing except your own understanding.
"""

import jax, jax.numpy as jnp
import numpy as np

N = 10000
E = 320000
D_IN = 128
D_H = 128
D_OUT = 40


def _lin_init(k, fan_in, fan_out):
    return jax.random.normal(k, (fan_in, fan_out), dtype=jnp.float32) * (1.0 / np.sqrt(fan_in))


def setup_inputs(seed: int = 0) -> dict:
    key = jax.random.key(seed)
    ks = jax.random.split(key, 10)
    x = jax.random.normal(ks[0], (N, D_IN), dtype=jnp.float32)
    edge_index = jax.random.randint(ks[1], (2, E), 0, N)
    return {
        "x": x,
        "edge_index": edge_index,
        "lin_W0": _lin_init(ks[2], D_IN, D_H),
        "lin_b0": jnp.zeros((D_H,), dtype=jnp.float32),
        "agg_W0": _lin_init(ks[3], D_IN + D_H, D_H),
        "agg_b0": jnp.zeros((D_H,), dtype=jnp.float32),
        "lin_W1": _lin_init(ks[4], D_H, D_H),
        "lin_b1": jnp.zeros((D_H,), dtype=jnp.float32),
        "agg_W1": _lin_init(ks[5], D_H + D_H, D_H),
        "agg_b1": jnp.zeros((D_H,), dtype=jnp.float32),
        "post_W1": _lin_init(ks[6], D_H, D_H),
        "post_b1": jnp.zeros((D_H,), dtype=jnp.float32),
        "post_W2": _lin_init(ks[7], D_H, D_OUT),
        "post_b2": jnp.zeros((D_OUT,), dtype=jnp.float32),
    }


def _sage_layer(x, edge_index, lW, lb, aW, ab):
    # PyG GraphSage with aggr='mean': message = relu(lin(x_j)) gathered from src,
    # mean-reduced onto dst, then update = relu(agg_lin(cat(aggr, x))), L2-normalized.
    src = edge_index[0]
    dst = edge_index[1]
    x_j = jnp.take(x, src, axis=0)
    msg = jax.nn.relu(x_j @ lW + lb)
    n = x.shape[0]
    s = jax.ops.segment_sum(msg, dst, num_segments=n)
    cnt = jax.ops.segment_sum(jnp.ones((msg.shape[0],), dtype=msg.dtype), dst, num_segments=n)
    mean = s / jnp.maximum(cnt, 1.0)[:, None]
    h = jnp.concatenate([mean, x], axis=-1)
    h = jax.nn.relu(h @ aW + ab)
    norm = jnp.maximum(jnp.linalg.norm(h, axis=-1, keepdims=True), 1e-12)
    return h / norm


def reference(x, edge_index, lin_W0, lin_b0, agg_W0, agg_b0, lin_W1, lin_b1, agg_W1, agg_b1, post_W1, post_b1, post_W2, post_b2):
    # GNNStack.forward with dropout p=0.0 (identity)
    h = _sage_layer(x, edge_index, lin_W0, lin_b0, agg_W0, agg_b0)
    h = jax.nn.relu(h)
    h = _sage_layer(h, edge_index, lin_W1, lin_b1, agg_W1, agg_b1)
    h = jax.nn.relu(h)
    h = h @ post_W1 + post_b1
    h = h @ post_W2 + post_b2
    return jax.nn.log_softmax(h, axis=1)

if __name__ == "__main__":
    import jax
    _d = setup_inputs()
    print(jax.jit(kernel)(*tuple(_d.values())))

</pallas_src>

<mosaic_0001>
#map = affine_map<(d0, d1) -> (0, 0)>
#map1 = affine_map<(d0, d1) -> (0)>
module attributes {stable_mosaic.version = 14 : i64} {
  func.func @body(%arg0: i32, %arg1: i32, %arg2: memref<10000x128xf32, #tpu.memory_space<hbm>>, %arg3: memref<327680xi32, #tpu.memory_space<hbm>>, %arg4: memref<2560x128xi32, #tpu.memory_space<hbm>>, %arg5: memref<10112x128xf32, #tpu.memory_space<hbm>>, %arg6: memref<20224x128xf32, #tpu.memory_space<hbm>>, %arg7: memref<128xi32, #tpu.memory_space<vmem>>, %arg8: memref<128xi32, #tpu.memory_space<vmem>>, %arg9: memref<128x128xf32, #tpu.memory_space<vmem>>, %arg10: memref<128x128xf32, #tpu.memory_space<vmem>>, %arg11: memref<80x128xi32, #tpu.memory_space<vmem>>, %arg12: memref<10112x128xf32, #tpu.memory_space<vmem_shared>>, %arg13: memref<!tpu.dma_semaphore, #tpu.memory_space<semaphore_mem>>, %arg14: memref<!tpu.dma_semaphore, #tpu.memory_space<semaphore_mem>>, %arg15: memref<!tpu.dma_semaphore, #tpu.memory_space<semaphore_mem>>, %arg16: memref<!tpu.dma_semaphore, #tpu.memory_space<semaphore_mem>>, %arg17: memref<!tpu.dma_semaphore, #tpu.memory_space<semaphore_mem>>, %arg18: memref<!tpu.dma_semaphore, #tpu.memory_space<semaphore_mem>>) attributes {dimension_semantics = [#tpu.dimension_semantics<core_parallel>, #tpu.dimension_semantics<subcore_parallel>], iteration_bounds = array<i64: 2, 16>, scalar_prefetch = 0 : i64, scratch_operands = 12 : i64, tpu.core_type = #tpu.core_type<sc_vector_subcore>, window_params = [{transform_indices = #map}, {transform_indices = #map1}, {transform_indices = #map}, {transform_indices = #map}, {transform_indices = #map}]} {
    %mul3A = arith.constant 632 : i32
    %mul3A_0 = arith.muli %arg1, %mul3A : i32
    %multiple_of3A = tpu.assume_multiple %mul3A_0, 8 : i32
    %eq3A = arith.constant 1 : i32
    %eq3A_1 = arith.cmpi eq, %arg0, %eq3A : i32
    %jit3A = arith.constant 80 : i32
    %jit3A_2 = arith.constant 80 : i32
    %select_n3A = arith.select %eq3A_1, %jit3A, %jit3A_2 : i32
    %mul3A_3 = arith.constant 80 : i32
    %mul3A_4 = arith.muli %arg1, %mul3A_3 : i32
    %mul3A_5 = arith.constant 80 : i32
    %mul3A_6 = arith.muli %arg1, %mul3A_5 : i32
    %add3A = arith.constant 1280 : i32
    %add3A_7 = arith.addi %add3A, %mul3A_6 : i32
    %select_n3A_8 = arith.select %eq3A_1, %mul3A_4, %add3A_7 : i32
    %multiple_of3A_9 = tpu.assume_multiple %select_n3A_8, 8 : i32
    "tpu.region"() ({
      %run_scoped3A = tpu.sem_alloc : memref<!tpu.dma_semaphore, #tpu.memory_space<semaphore_mem>>
      %dma_start3A_66 = arith.constant 0 : i32
      %dma_start3A_67 = tpu.memref_slice %arg4[%multiple_of3A_9, %dma_start3A_66] : memref<2560x128xi32, #tpu.memory_space<hbm>> -> memref<80x128xi32, #tpu.memory_space<hbm>>
      %dma_start3A_68 = arith.constant 0 : i32
      %dma_start3A_69 = tpu.memref_slice %arg4[%multiple_of3A_9, %dma_start3A_68] : memref<2560x128xi32, #tpu.memory_space<hbm>> -> memref<80x128xi32, #tpu.memory_space<hbm>>
      tpu.enqueue_dma source(%dma_start3A_69 : memref<80x128xi32, #tpu.memory_space<hbm>>) target(%arg11 : memref<80x128xi32, #tpu.memory_space<vmem>>) target_semaphore(%run_scoped3A : memref<!tpu.dma_semaphore, #tpu.memory_space<semaphore_mem>>)
      %dma_wait3A_70 = arith.constant 0 : i32
      %dma_wait3A_71 = tpu.memref_slice %arg4[%multiple_of3A_9, %dma_wait3A_70] : memref<2560x128xi32, #tpu.memory_space<hbm>> -> memref<80x128xi32, #tpu.memory_space<hbm>>
      %dma_wait3A_72 = arith.constant 0 : i32
      %dma_wait3A_73 = tpu.memref_slice %arg4[%multiple_of3A_9, %dma_wait3A_72] : memref<2560x128xi32, #tpu.memory_space<hbm>> -> memref<80x128xi32, #tpu.memory_space<hbm>>
      tpu.wait_dma2 semaphore(%run_scoped3A : memref<!tpu.dma_semaphore, #tpu.memory_space<semaphore_mem>>) src(%dma_wait3A_73 : memref<80x128xi32, #tpu.memory_space<hbm>>) dst(%arg11 : memref<80x128xi32, #tpu.memory_space<vmem>>)
      tpu.yield
    }) : () -> ()
    "tpu.region"() ({
      %run_scoped3A = tpu.sem_alloc : memref<!tpu.dma_semaphore, #tpu.memory_space<semaphore_mem>>
      %dma_start3A_66 = arith.constant 0 : i32
      %dma_start3A_67 = tpu.memref_slice %arg12[%multiple_of3A, %dma_start3A_66] : memref<10112x128xf32, #tpu.memory_space<vmem_shared>> -> memref<632x128xf32, #tpu.memory_space<vmem_shared>>
      %dma_start3A_68 = arith.constant 0 : i32
      %dma_start3A_69 = tpu.memref_slice %arg5[%multiple_of3A, %dma_start3A_68] : memref<10112x128xf32, #tpu.memory_space<hbm>> -> memref<632x128xf32, #tpu.memory_space<hbm>>
      tpu.enqueue_dma source(%dma_start3A_69 : memref<632x128xf32, #tpu.memory_space<hbm>>) target(%dma_start3A_67 : memref<632x128xf32, #tpu.memory_space<vmem_shared>>) target_semaphore(%run_scoped3A : memref<!tpu.dma_semaphore, #tpu.memory_space<semaphore_mem>>)
      %dma_wait3A_70 = arith.constant 0 : i32
      %dma_wait3A_71 = tpu.memref_slice %arg12[%multiple_of3A, %dma_wait3A_70] : memref<10112x128xf32, #tpu.memory_space<vmem_shared>> -> memref<632x128xf32, #tpu.memory_space<vmem_shared>>
      %dma_wait3A_72 = arith.constant 0 : i32
      %dma_wait3A_73 = tpu.memref_slice %arg5[%multiple_of3A, %dma_wait3A_72] : memref<10112x128xf32, #tpu.memory_space<hbm>> -> memref<632x128xf32, #tpu.memory_space<hbm>>
      tpu.wait_dma2 semaphore(%run_scoped3A : memref<!tpu.dma_semaphore, #tpu.memory_space<semaphore_mem>>) src(%dma_wait3A_73 : memref<632x128xf32, #tpu.memory_space<hbm>>) dst(%dma_wait3A_71 : memref<632x128xf32, #tpu.memory_space<vmem_shared>>)
      tpu.yield
    }) : () -> ()
    %barrier3A = arith.constant 0 : index
    tpu.barrier barrier_id(%barrier3A)
    %add3A_10 = arith.constant 0 : i32
    %add3A_11 = arith.addi %multiple_of3A_9, %add3A_10 : i32
    %mul3A_12 = arith.constant 128 : i32
    %mul3A_13 = arith.muli %add3A_11, %mul3A_12 : i32
    %multiple_of3A_14 = tpu.assume_multiple %mul3A_13, 8 : i32
    %dma_start3A = tpu.memref_slice %arg3[%multiple_of3A_14] : memref<327680xi32, #tpu.memory_space<hbm>> -> memref<128xi32, #tpu.memory_space<hbm>>
    %dma_start3A_15 = tpu.memref_slice %arg3[%multiple_of3A_14] : memref<327680xi32, #tpu.memory_space<hbm>> -> memref<128xi32, #tpu.memory_space<hbm>>
    tpu.enqueue_dma source(%dma_start3A_15 : memref<128xi32, #tpu.memory_space<hbm>>) target(%arg7 : memref<128xi32, #tpu.memory_space<vmem>>) target_semaphore(%arg13 : memref<!tpu.dma_semaphore, #tpu.memory_space<semaphore_mem>>)
    %add3A_16 = arith.constant 1 : i32
    %add3A_17 = arith.addi %multiple_of3A_9, %add3A_16 : i32
    %mul3A_18 = arith.constant 128 : i32
    %mul3A_19 = arith.muli %add3A_17, %mul3A_18 : i32
    %multiple_of3A_20 = tpu.assume_multiple %mul3A_19, 8 : i32
    %dma_start3A_21 = tpu.memref_slice %arg3[%multiple_of3A_20] : memref<327680xi32, #tpu.memory_space<hbm>> -> memref<128xi32, #tpu.memory_space<hbm>>
    %dma_start3A_22 = tpu.memref_slice %arg3[%multiple_of3A_20] : memref<327680xi32, #tpu.memory_space<hbm>> -> memref<128xi32, #tpu.memory_space<hbm>>
    tpu.enqueue_dma source(%dma_start3A_22 : memref<128xi32, #tpu.memory_space<hbm>>) target(%arg8 : memref<128xi32, #tpu.memory_space<vmem>>) target_semaphore(%arg14 : memref<!tpu.dma_semaphore, #tpu.memory_space<semaphore_mem>>)
    %jit3A_23 = arith.constant 2 : i32
    %div3A = arith.divsi %select_n3A, %jit3A_23 : i32
    %sign3A = arith.constant 0 : i32
    %sign3A_24 = arith.cmpi sgt, %select_n3A, %sign3A : i32
    %sign3A_25 = arith.extui %sign3A_24 : i1 to i32
    %sign3A_26 = arith.constant 0 : i32
    %sign3A_27 = arith.cmpi slt, %select_n3A, %sign3A_26 : i32
    %sign3A_28 = arith.extui %sign3A_27 : i1 to i32
    %sign3A_29 = arith.subi %sign3A_25, %sign3A_28 : i32
    %sign3A_30 = arith.constant 0 : i32
    %sign3A_31 = arith.cmpi sgt, %jit3A_23, %sign3A_30 : i32
    %sign3A_32 = arith.extui %sign3A_31 : i1 to i32
    %sign3A_33 = arith.constant 0 : i32
    %sign3A_34 = arith.cmpi slt, %jit3A_23, %sign3A_33 : i32
    %sign3A_35 = arith.extui %sign3A_34 : i1 to i32
    %sign3A_36 = arith.subi %sign3A_32, %sign3A_35 : i32
    %ne3A = arith.cmpi ne, %sign3A_29, %sign3A_36 : i32
    %rem3A = arith.remsi %select_n3A, %jit3A_23 : i32
    %ne3A_37 = arith.constant 0 : i32
    %ne3A_38 = arith.cmpi ne, %rem3A, %ne3A_37 : i32
    %and3A = arith.andi %ne3A, %ne3A_38 : i1
    %sub3A = arith.constant 1 : i32
    %sub3A_39 = arith.subi %div3A, %sub3A : i32
    %select_n3A_40 = arith.select %and3A, %sub3A_39, %div3A : i32
    %while3A = arith.constant 0 : i32
    %while3A_41 = arith.constant 0 : i32
    %while3A_42 = arith.subi %select_n3A_40, %while3A_41 : i32
    %while3A_43 = arith.addi %while3A_41, %while3A_42 : i32
    %while3A_44 = arith.constant 1 : i32
    %while3A_45 = arith.divsi %while3A_42, %while3A_44 : i32
    %while3A_46 = arith.muli %while3A_45, %while3A_44 : i32
    %while3A_47 = arith.addi %while3A_41, %while3A_46 : i32
    %while3A_48 = arith.constant 1 : i32
    scf.for %while3A_66 = %while3A_41 to %while3A_47 step %while3A_48  : i32 {
      %mul3A_67 = arith.constant 2 : i32
      %mul3A_68 = arith.muli %while3A_66, %mul3A_67 : i32
      %add3A_69 = arith.constant 0 : i32
      %add3A_70 = arith.addi %mul3A_68, %add3A_69 : i32
      %gt3A = arith.constant 0 : i32
      %gt3A_71 = arith.cmpi sgt, %while3A_66, %gt3A : i32
      %convert_element_type3A = arith.extui %gt3A_71 : i1 to i32
      %cond3A = arith.constant 0 : i32
      %cond3A_72 = arith.cmpi ne, %convert_element_type3A, %cond3A : i32
      scf.if %cond3A_72 {
        %dma_wait3A_131 = arith.constant 0 : i32
        %dma_wait3A_132 = arith.constant 0 : i32
        %dma_wait3A_133 = tpu.memref_slice %arg2[%dma_wait3A_131, %dma_wait3A_132] : memref<10000x128xf32, #tpu.memory_space<hbm>> -> memref<128x128xf32, #tpu.memory_space<hbm>>
        %dma_wait3A_134 = arith.constant 0 : i32
        %dma_wait3A_135 = arith.constant 0 : i32
        %dma_wait3A_136 = tpu.memref_slice %arg2[%dma_wait3A_134, %dma_wait3A_135] : memref<10000x128xf32, #tpu.memory_space<hbm>> -> memref<128x128xf32, #tpu.memory_space<hbm>>
        tpu.wait_dma2 semaphore(%arg17 : memref<!tpu.dma_semaphore, #tpu.memory_space<semaphore_mem>>) src(%dma_wait3A_136 : memref<128x128xf32, #tpu.memory_space<hbm>>) dst(%arg9 : memref<128x128xf32, #tpu.memory_space<vmem>>)
      } else {
      }
      %dma_wait3A_73 = arith.constant 0 : i32
      %dma_wait3A_74 = tpu.memref_slice %arg3[%dma_wait3A_73] : memref<327680xi32, #tpu.memory_space<hbm>> -> memref<128xi32, #tpu.memory_space<hbm>>
      %dma_wait3A_75 = arith.constant 0 : i32
      %dma_wait3A_76 = tpu.memref_slice %arg3[%dma_wait3A_75] : memref<327680xi32, #tpu.memory_space<hbm>> -> memref<128xi32, #tpu.memory_space<hbm>>
      tpu.wait_dma2 semaphore(%arg13 : memref<!tpu.dma_semaphore, #tpu.memory_space<semaphore_mem>>) src(%dma_wait3A_76 : memref<128xi32, #tpu.memory_space<hbm>>) dst(%arg7 : memref<128xi32, #tpu.memory_space<vmem>>)
      %dma_start3A_77 = arith.constant 0 : i32
      %dma_start3A_78 = arith.constant 0 : i32
      %dma_start3A_79 = tpu.memref_slice %arg2[%dma_start3A_77, %dma_start3A_78] : memref<10000x128xf32, #tpu.memory_space<hbm>> -> memref<10000x128xf32, #tpu.memory_space<hbm>>
      tpu.enqueue_indirect_dma source(%dma_start3A_79 : memref<10000x128xf32, #tpu.memory_space<hbm>>) target(%arg9 : memref<128x128xf32, #tpu.memory_space<vmem>>) offsets(%arg7 : memref<128xi32, #tpu.memory_space<vmem>>) semaphore(%arg15 : memref<!tpu.dma_semaphore, #tpu.memory_space<semaphore_mem>>)
      %dma_wait3A_80 = arith.constant 0 : i32
      %dma_wait3A_81 = arith.constant 0 : i32
      %dma_wait3A_82 = tpu.memref_slice %arg2[%dma_wait3A_80, %dma_wait3A_81] : memref<10000x128xf32, #tpu.memory_space<hbm>> -> memref<128x128xf32, #tpu.memory_space<hbm>>
      %dma_wait3A_83 = arith.constant 0 : i32
      %dma_wait3A_84 = arith.constant 0 : i32
      %dma_wait3A_85 = tpu.memref_slice %arg2[%dma_wait3A_83, %dma_wait3A_84] : memref<10000x128xf32, #tpu.memory_space<hbm>> -> memref<128x128xf32, #tpu.memory_space<hbm>>
      tpu.wait_dma2 semaphore(%arg15 : memref<!tpu.dma_semaphore, #tpu.memory_space<semaphore_mem>>) src(%dma_wait3A_85 : memref<128x128xf32, #tpu.memory_space<hbm>>) dst(%arg9 : memref<128x128xf32, #tpu.memory_space<vmem>>)
      %dma_start3A_86 = arith.constant 0 : i32
      %dma_start3A_87 = tpu.memref_slice %arg11[%add3A_70, %dma_start3A_86] : memref<80x128xi32, #tpu.memory_space<vmem>> -> memref<1x128xi32, #tpu.memory_space<vmem>>
      %dma_start3A_88 = tpu.memref_squeeze %dma_start3A_87 : memref<1x128xi32, #tpu.memory_space<vmem>> -> memref<128xi32, #tpu.memory_space<vmem>>
      %dma_start3A_89 = arith.constant 0 : i32
      %dma_start3A_90 = arith.constant 0 : i32
      %dma_start3A_91 = tpu.memref_slice %arg12[%dma_start3A_89, %dma_start3A_90] : memref<10112x128xf32, #tpu.memory_space<vmem_shared>> -> memref<10112x128xf32, #tpu.memory_space<vmem_shared>>
      tpu.enqueue_indirect_dma source(%arg9 : memref<128x128xf32, #tpu.memory_space<vmem>>) target(%dma_start3A_91 : memref<10112x128xf32, #tpu.memory_space<vmem_shared>>) offsets(%dma_start3A_88 : memref<128xi32, #tpu.memory_space<vmem>>) semaphore(%arg17 : memref<!tpu.dma_semaphore, #tpu.memory_space<semaphore_mem>>) {add = true}
      %add3A_92 = arith.constant 2 : i32
      %add3A_93 = arith.addi %add3A_70, %add3A_92 : i32
      %lt3A = arith.cmpi slt, %add3A_93, %select_n3A : i32
      %convert_element_type3A_94 = arith.extui %lt3A : i1 to i32
      %cond3A_95 = arith.constant 0 : i32
      %cond3A_96 = arith.cmpi ne, %convert_element_type3A_94, %cond3A_95 : i32
      scf.if %cond3A_96 {
        %add3A_131 = arith.constant 2 : i32
        %add3A_132 = arith.addi %add3A_70, %add3A_131 : i32
        %add3A_133 = arith.addi %multiple_of3A_9, %add3A_132 : i32
        %mul3A_134 = arith.constant 128 : i32
        %mul3A_135 = arith.muli %add3A_133, %mul3A_134 : i32
        %multiple_of3A_136 = tpu.assume_multiple %mul3A_135, 8 : i32
        %dma_start3A_137 = tpu.memref_slice %arg3[%multiple_of3A_136] : memref<327680xi32, #tpu.memory_space<hbm>> -> memref<128xi32, #tpu.memory_space<hbm>>
        %dma_start3A_138 = tpu.memref_slice %arg3[%multiple_of3A_136] : memref<327680xi32, #tpu.memory_space<hbm>> -> memref<128xi32, #tpu.memory_space<hbm>>
        tpu.enqueue_dma source(%dma_start3A_138 : memref<128xi32, #tpu.memory_space<hbm>>) target(%arg7 : memref<128xi32, #tpu.memory_space<vmem>>) target_semaphore(%arg13 : memref<!tpu.dma_semaphore, #tpu.memory_space<semaphore_mem>>)
      } else {
      }
      %mul3A_97 = arith.constant 2 : i32
      %mul3A_98 = arith.muli %while3A_66, %mul3A_97 : i32
      %add3A_99 = arith.constant 1 : i32
      %add3A_100 = arith.addi %mul3A_98, %add3A_99 : i32
      %gt3A_101 = arith.constant 0 : i32
      %gt3A_102 = arith.cmpi sgt, %while3A_66, %gt3A_101 : i32
      %convert_element_type3A_103 = arith.extui %gt3A_102 : i1 to i32
      %cond3A_104 = arith.constant 0 : i32
      %cond3A_105 = arith.cmpi ne, %convert_element_type3A_103, %cond3A_104 : i32
      scf.if %cond3A_105 {
        %dma_wait3A_131 = arith.constant 0 : i32
        %dma_wait3A_132 = arith.constant 0 : i32
        %dma_wait3A_133 = tpu.memref_slice %arg2[%dma_wait3A_131, %dma_wait3A_132] : memref<10000x128xf32, #tpu.memory_space<hbm>> -> memref<128x128xf32, #tpu.memory_space<hbm>>
        %dma_wait3A_134 = arith.constant 0 : i32
        %dma_wait3A_135 = arith.constant 0 : i32
        %dma_wait3A_136 = tpu.memref_slice %arg2[%dma_wait3A_134, %dma_wait3A_135] : memref<10000x128xf32, #tpu.memory_space<hbm>> -> memref<128x128xf32, #tpu.memory_space<hbm>>
        tpu.wait_dma2 semaphore(%arg18 : memref<!tpu.dma_semaphore, #tpu.memory_space<semaphore_mem>>) src(%dma_wait3A_136 : memref<128x128xf32, #tpu.memory_space<hbm>>) dst(%arg10 : memref<128x128xf32, #tpu.memory_space<vmem>>)
      } else {
      }
      %dma_wait3A_106 = arith.constant 0 : i32
      %dma_wait3A_107 = tpu.memref_slice %arg3[%dma_wait3A_106] : memref<327680xi32, #tpu.memory_space<hbm>> -> memref<128xi32, #tpu.memory_space<hbm>>
      %dma_wait3A_108 = arith.constant 0 : i32
      %dma_wait3A_109 = tpu.memref_slice %arg3[%dma_wait3A_108] : memref<327680xi32, #tpu.memory_space<hbm>> -> memref<128xi32, #tpu.memory_space<hbm>>
      tpu.wait_dma2 semaphore(%arg14 : memref<!tpu.dma_semaphore, #tpu.memory_space<semaphore_mem>>) src(%dma_wait3A_109 : memref<128xi32, #tpu.memory_space<hbm>>) dst(%arg8 : memref<128xi32, #tpu.memory_space<vmem>>)
      %dma_start3A_110 = arith.constant 0 : i32
      %dma_start3A_111 = arith.constant 0 : i32
      %dma_start3A_112 = tpu.memref_slice %arg2[%dma_start3A_110, %dma_start3A_111] : memref<10000x128xf32, #tpu.memory_space<hbm>> -> memref<10000x128xf32, #tpu.memory_space<hbm>>
      tpu.enqueue_indirect_dma source(%dma_start3A_112 : memref<10000x128xf32, #tpu.memory_space<hbm>>) target(%arg10 : memref<128x128xf32, #tpu.memory_space<vmem>>) offsets(%arg8 : memref<128xi32, #tpu.memory_space<vmem>>) semaphore(%arg16 : memref<!tpu.dma_semaphore, #tpu.memory_space<semaphore_mem>>)
      %dma_wait3A_113 = arith.constant 0 : i32
      %dma_wait3A_114 = arith.constant 0 : i32
      %dma_wait3A_115 = tpu.memref_slice %arg2[%dma_wait3A_113, %dma_wait3A_114] : memref<10000x128xf32, #tpu.memory_space<hbm>> -> memref<128x128xf32, #tpu.memory_space<hbm>>
      %dma_wait3A_116 = arith.constant 0 : i32
      %dma_wait3A_117 = arith.constant 0 : i32
      %dma_wait3A_118 = tpu.memref_slice %arg2[%dma_wait3A_116, %dma_wait3A_117] : memref<10000x128xf32, #tpu.memory_space<hbm>> -> memref<128x128xf32, #tpu.memory_space<hbm>>
      tpu.wait_dma2 semaphore(%arg16 : memref<!tpu.dma_semaphore, #tpu.memory_space<semaphore_mem>>) src(%dma_wait3A_118 : memref<128x128xf32, #tpu.memory_space<hbm>>) dst(%arg10 : memref<128x128xf32, #tpu.memory_space<vmem>>)
      %dma_start3A_119 = arith.constant 0 : i32
      %dma_start3A_120 = tpu.memref_slice %arg11[%add3A_100, %dma_start3A_119] : memref<80x128xi32, #tpu.memory_space<vmem>> -> memref<1x128xi32, #tpu.memory_space<vmem>>
      %dma_start3A_121 = tpu.memref_squeeze %dma_start3A_120 : memref<1x128xi32, #tpu.memory_space<vmem>> -> memref<128xi32, #tpu.memory_space<vmem>>
      %dma_start3A_122 = arith.constant 0 : i32
      %dma_start3A_123 = arith.constant 0 : i32
      %dma_start3A_124 = tpu.memref_slice %arg12[%dma_start3A_122, %dma_start3A_123] : memref<10112x128xf32, #tpu.memory_space<vmem_shared>> -> memref<10112x128xf32, #tpu.memory_space<vmem_shared>>
      tpu.enqueue_indirect_dma source(%arg10 : memref<128x128xf32, #tpu.memory_space<vmem>>) target(%dma_start3A_124 : memref<10112x128xf32, #tpu.memory_space<vmem_shared>>) offsets(%dma_start3A_121 : memref<128xi32, #tpu.memory_space<vmem>>) semaphore(%arg18 : memref<!tpu.dma_semaphore, #tpu.memory_space<semaphore_mem>>) {add = true}
      %add3A_125 = arith.constant 2 : i32
      %add3A_126 = arith.addi %add3A_100, %add3A_125 : i32
      %lt3A_127 = arith.cmpi slt, %add3A_126, %select_n3A : i32
      %convert_element_type3A_128 = arith.extui %lt3A_127 : i1 to i32
      %cond3A_129 = arith.constant 0 : i32
      %cond3A_130 = arith.cmpi ne, %convert_element_type3A_128, %cond3A_129 : i32
      scf.if %cond3A_130 {
        %add3A_131 = arith.constant 2 : i32
        %add3A_132 = arith.addi %add3A_100, %add3A_131 : i32
        %add3A_133 = arith.addi %multiple_of3A_9, %add3A_132 : i32
        %mul3A_134 = arith.constant 128 : i32
        %mul3A_135 = arith.muli %add3A_133, %mul3A_134 : i32
        %multiple_of3A_136 = tpu.assume_multiple %mul3A_135, 8 : i32
        %dma_start3A_137 = tpu.memref_slice %arg3[%multiple_of3A_136] : memref<327680xi32, #tpu.memory_space<hbm>> -> memref<128xi32, #tpu.memory_space<hbm>>
        %dma_start3A_138 = tpu.memref_slice %arg3[%multiple_of3A_136] : memref<327680xi32, #tpu.memory_space<hbm>> -> memref<128xi32, #tpu.memory_space<hbm>>
        tpu.enqueue_dma source(%dma_start3A_138 : memref<128xi32, #tpu.memory_space<hbm>>) target(%arg8 : memref<128xi32, #tpu.memory_space<vmem>>) target_semaphore(%arg14 : memref<!tpu.dma_semaphore, #tpu.memory_space<semaphore_mem>>)
      } else {
      }
    }
    %while3A_49 = arith.constant 1 : i32
    scf.for %while3A_66 = %while3A_47 to %while3A_43 step %while3A_49  : i32 {
      %mul3A_67 = arith.constant 2 : i32
      %mul3A_68 = arith.muli %while3A_66, %mul3A_67 : i32
      %add3A_69 = arith.constant 0 : i32
      %add3A_70 = arith.addi %mul3A_68, %add3A_69 : i32
      %gt3A = arith.constant 0 : i32
      %gt3A_71 = arith.cmpi sgt, %while3A_66, %gt3A : i32
      %convert_element_type3A = arith.extui %gt3A_71 : i1 to i32
      %cond3A = arith.constant 0 : i32
      %cond3A_72 = arith.cmpi ne, %convert_element_type3A, %cond3A : i32
      scf.if %cond3A_72 {
        %dma_wait3A_131 = arith.constant 0 : i32
        %dma_wait3A_132 = arith.constant 0 : i32
        %dma_wait3A_133 = tpu.memref_slice %arg2[%dma_wait3A_131, %dma_wait3A_132] : memref<10000x128xf32, #tpu.memory_space<hbm>> -> memref<128x128xf32, #tpu.memory_space<hbm>>
        %dma_wait3A_134 = arith.constant 0 : i32
        %dma_wait3A_135 = arith.constant 0 : i32
        %dma_wait3A_136 = tpu.memref_slice %arg2[%dma_wait3A_134, %dma_wait3A_135] : memref<10000x128xf32, #tpu.memory_space<hbm>> -> memref<128x128xf32, #tpu.memory_space<hbm>>
        tpu.wait_dma2 semaphore(%arg17 : memref<!tpu.dma_semaphore, #tpu.memory_space<semaphore_mem>>) src(%dma_wait3A_136 : memref<128x128xf32, #tpu.memory_space<hbm>>) dst(%arg9 : memref<128x128xf32, #tpu.memory_space<vmem>>)
      } else {
      }
      %dma_wait3A_73 = arith.constant 0 : i32
      %dma_wait3A_74 = tpu.memref_slice %arg3[%dma_wait3A_73] : memref<327680xi32, #tpu.memory_space<hbm>> -> memref<128xi32, #tpu.memory_space<hbm>>
      %dma_wait3A_75 = arith.constant 0 : i32
      %dma_wait3A_76 = tpu.memref_slice %arg3[%dma_wait3A_75] : memref<327680xi32, #tpu.memory_space<hbm>> -> memref<128xi32, #tpu.memory_space<hbm>>
      tpu.wait_dma2 semaphore(%arg13 : memref<!tpu.dma_semaphore, #tpu.memory_space<semaphore_mem>>) src(%dma_wait3A_76 : memref<128xi32, #tpu.memory_space<hbm>>) dst(%arg7 : memref<128xi32, #tpu.memory_space<vmem>>)
      %dma_start3A_77 = arith.constant 0 : i32
      %dma_start3A_78 = arith.constant 0 : i32
      %dma_start3A_79 = tpu.memref_slice %arg2[%dma_start3A_77, %dma_start3A_78] : memref<10000x128xf32, #tpu.memory_space<hbm>> -> memref<10000x128xf32, #tpu.memory_space<hbm>>
      tpu.enqueue_indirect_dma source(%dma_start3A_79 : memref<10000x128xf32, #tpu.memory_space<hbm>>) target(%arg9 : memref<128x128xf32, #tpu.memory_space<vmem>>) offsets(%arg7 : memref<128xi32, #tpu.memory_space<vmem>>) semaphore(%arg15 : memref<!tpu.dma_semaphore, #tpu.memory_space<semaphore_mem>>)
      %dma_wait3A_80 = arith.constant 0 : i32
      %dma_wait3A_81 = arith.constant 0 : i32
      %dma_wait3A_82 = tpu.memref_slice %arg2[%dma_wait3A_80, %dma_wait3A_81] : memref<10000x128xf32, #tpu.memory_space<hbm>> -> memref<128x128xf32, #tpu.memory_space<hbm>>
      %dma_wait3A_83 = arith.constant 0 : i32
      %dma_wait3A_84 = arith.constant 0 : i32
      %dma_wait3A_85 = tpu.memref_slice %arg2[%dma_wait3A_83, %dma_wait3A_84] : memref<10000x128xf32, #tpu.memory_space<hbm>> -> memref<128x128xf32, #tpu.memory_space<hbm>>
      tpu.wait_dma2 semaphore(%arg15 : memref<!tpu.dma_semaphore, #tpu.memory_space<semaphore_mem>>) src(%dma_wait3A_85 : memref<128x128xf32, #tpu.memory_space<hbm>>) dst(%arg9 : memref<128x128xf32, #tpu.memory_space<vmem>>)
      %dma_start3A_86 = arith.constant 0 : i32
      %dma_start3A_87 = tpu.memref_slice %arg11[%add3A_70, %dma_start3A_86] : memref<80x128xi32, #tpu.memory_space<vmem>> -> memref<1x128xi32, #tpu.memory_space<vmem>>
      %dma_start3A_88 = tpu.memref_squeeze %dma_start3A_87 : memref<1x128xi32, #tpu.memory_space<vmem>> -> memref<128xi32, #tpu.memory_space<vmem>>
      %dma_start3A_89 = arith.constant 0 : i32
      %dma_start3A_90 = arith.constant 0 : i32
      %dma_start3A_91 = tpu.memref_slice %arg12[%dma_start3A_89, %dma_start3A_90] : memref<10112x128xf32, #tpu.memory_space<vmem_shared>> -> memref<10112x128xf32, #tpu.memory_space<vmem_shared>>
      tpu.enqueue_indirect_dma source(%arg9 : memref<128x128xf32, #tpu.memory_space<vmem>>) target(%dma_start3A_91 : memref<10112x128xf32, #tpu.memory_space<vmem_shared>>) offsets(%dma_start3A_88 : memref<128xi32, #tpu.memory_space<vmem>>) semaphore(%arg17 : memref<!tpu.dma_semaphore, #tpu.memory_space<semaphore_mem>>) {add = true}
      %add3A_92 = arith.constant 2 : i32
      %add3A_93 = arith.addi %add3A_70, %add3A_92 : i32
      %lt3A = arith.cmpi slt, %add3A_93, %select_n3A : i32
      %convert_element_type3A_94 = arith.extui %lt3A : i1 to i32
      %cond3A_95 = arith.constant 0 : i32
      %cond3A_96 = arith.cmpi ne, %convert_element_type3A_94, %cond3A_95 : i32
      scf.if %cond3A_96 {
        %add3A_131 = arith.constant 2 : i32
        %add3A_132 = arith.addi %add3A_70, %add3A_131 : i32
        %add3A_133 = arith.addi %multiple_of3A_9, %add3A_132 : i32
        %mul3A_134 = arith.constant 128 : i32
        %mul3A_135 = arith.muli %add3A_133, %mul3A_134 : i32
        %multiple_of3A_136 = tpu.assume_multiple %mul3A_135, 8 : i32
        %dma_start3A_137 = tpu.memref_slice %arg3[%multiple_of3A_136] : memref<327680xi32, #tpu.memory_space<hbm>> -> memref<128xi32, #tpu.memory_space<hbm>>
        %dma_start3A_138 = tpu.memref_slice %arg3[%multiple_of3A_136] : memref<327680xi32, #tpu.memory_space<hbm>> -> memref<128xi32, #tpu.memory_space<hbm>>
        tpu.enqueue_dma source(%dma_start3A_138 : memref<128xi32, #tpu.memory_space<hbm>>) target(%arg7 : memref<128xi32, #tpu.memory_space<vmem>>) target_semaphore(%arg13 : memref<!tpu.dma_semaphore, #tpu.memory_space<semaphore_mem>>)
      } else {
      }
      %mul3A_97 = arith.constant 2 : i32
      %mul3A_98 = arith.muli %while3A_66, %mul3A_97 : i32
      %add3A_99 = arith.constant 1 : i32
      %add3A_100 = arith.addi %mul3A_98, %add3A_99 : i32
      %gt3A_101 = arith.constant 0 : i32
      %gt3A_102 = arith.cmpi sgt, %while3A_66, %gt3A_101 : i32
      %convert_element_type3A_103 = arith.extui %gt3A_102 : i1 to i32
      %cond3A_104 = arith.constant 0 : i32
      %cond3A_105 = arith.cmpi ne, %convert_element_type3A_103, %cond3A_104 : i32
      scf.if %cond3A_105 {
        %dma_wait3A_131 = arith.constant 0 : i32
        %dma_wait3A_132 = arith.constant 0 : i32
        %dma_wait3A_133 = tpu.memref_slice %arg2[%dma_wait3A_131, %dma_wait3A_132] : memref<10000x128xf32, #tpu.memory_space<hbm>> -> memref<128x128xf32, #tpu.memory_space<hbm>>
        %dma_wait3A_134 = arith.constant 0 : i32
        %dma_wait3A_135 = arith.constant 0 : i32
        %dma_wait3A_136 = tpu.memref_slice %arg2[%dma_wait3A_134, %dma_wait3A_135] : memref<10000x128xf32, #tpu.memory_space<hbm>> -> memref<128x128xf32, #tpu.memory_space<hbm>>
        tpu.wait_dma2 semaphore(%arg18 : memref<!tpu.dma_semaphore, #tpu.memory_space<semaphore_mem>>) src(%dma_wait3A_136 : memref<128x128xf32, #tpu.memory_space<hbm>>) dst(%arg10 : memref<128x128xf32, #tpu.memory_space<vmem>>)
      } else {
      }
      %dma_wait3A_106 = arith.constant 0 : i32
      %dma_wait3A_107 = tpu.memref_slice %arg3[%dma_wait3A_106] : memref<327680xi32, #tpu.memory_space<hbm>> -> memref<128xi32, #tpu.memory_space<hbm>>
      %dma_wait3A_108 = arith.constant 0 : i32
      %dma_wait3A_109 = tpu.memref_slice %arg3[%dma_wait3A_108] : memref<327680xi32, #tpu.memory_space<hbm>> -> memref<128xi32, #tpu.memory_space<hbm>>
      tpu.wait_dma2 semaphore(%arg14 : memref<!tpu.dma_semaphore, #tpu.memory_space<semaphore_mem>>) src(%dma_wait3A_109 : memref<128xi32, #tpu.memory_space<hbm>>) dst(%arg8 : memref<128xi32, #tpu.memory_space<vmem>>)
      %dma_start3A_110 = arith.constant 0 : i32
      %dma_start3A_111 = arith.constant 0 : i32
      %dma_start3A_112 = tpu.memref_slice %arg2[%dma_start3A_110, %dma_start3A_111] : memref<10000x128xf32, #tpu.memory_space<hbm>> -> memref<10000x128xf32, #tpu.memory_space<hbm>>
      tpu.enqueue_indirect_dma source(%dma_start3A_112 : memref<10000x128xf32, #tpu.memory_space<hbm>>) target(%arg10 : memref<128x128xf32, #tpu.memory_space<vmem>>) offsets(%arg8 : memref<128xi32, #tpu.memory_space<vmem>>) semaphore(%arg16 : memref<!tpu.dma_semaphore, #tpu.memory_space<semaphore_mem>>)
      %dma_wait3A_113 = arith.constant 0 : i32
      %dma_wait3A_114 = arith.constant 0 : i32
      %dma_wait3A_115 = tpu.memref_slice %arg2[%dma_wait3A_113, %dma_wait3A_114] : memref<10000x128xf32, #tpu.memory_space<hbm>> -> memref<128x128xf32, #tpu.memory_space<hbm>>
      %dma_wait3A_116 = arith.constant 0 : i32
      %dma_wait3A_117 = arith.constant 0 : i32
      %dma_wait3A_118 = tpu.memref_slice %arg2[%dma_wait3A_116, %dma_wait3A_117] : memref<10000x128xf32, #tpu.memory_space<hbm>> -> memref<128x128xf32, #tpu.memory_space<hbm>>
      tpu.wait_dma2 semaphore(%arg16 : memref<!tpu.dma_semaphore, #tpu.memory_space<semaphore_mem>>) src(%dma_wait3A_118 : memref<128x128xf32, #tpu.memory_space<hbm>>) dst(%arg10 : memref<128x128xf32, #tpu.memory_space<vmem>>)
      %dma_start3A_119 = arith.constant 0 : i32
      %dma_start3A_120 = tpu.memref_slice %arg11[%add3A_100, %dma_start3A_119] : memref<80x128xi32, #tpu.memory_space<vmem>> -> memref<1x128xi32, #tpu.memory_space<vmem>>
      %dma_start3A_121 = tpu.memref_squeeze %dma_start3A_120 : memref<1x128xi32, #tpu.memory_space<vmem>> -> memref<128xi32, #tpu.memory_space<vmem>>
      %dma_start3A_122 = arith.constant 0 : i32
      %dma_start3A_123 = arith.constant 0 : i32
      %dma_start3A_124 = tpu.memref_slice %arg12[%dma_start3A_122, %dma_start3A_123] : memref<10112x128xf32, #tpu.memory_space<vmem_shared>> -> memref<10112x128xf32, #tpu.memory_space<vmem_shared>>
      tpu.enqueue_indirect_dma source(%arg10 : memref<128x128xf32, #tpu.memory_space<vmem>>) target(%dma_start3A_124 : memref<10112x128xf32, #tpu.memory_space<vmem_shared>>) offsets(%dma_start3A_121 : memref<128xi32, #tpu.memory_space<vmem>>) semaphore(%arg18 : memref<!tpu.dma_semaphore, #tpu.memory_space<semaphore_mem>>) {add = true}
      %add3A_125 = arith.constant 2 : i32
      %add3A_126 = arith.addi %add3A_100, %add3A_125 : i32
      %lt3A_127 = arith.cmpi slt, %add3A_126, %select_n3A : i32
      %convert_element_type3A_128 = arith.extui %lt3A_127 : i1 to i32
      %cond3A_129 = arith.constant 0 : i32
      %cond3A_130 = arith.cmpi ne, %convert_element_type3A_128, %cond3A_129 : i32
      scf.if %cond3A_130 {
        %add3A_131 = arith.constant 2 : i32
        %add3A_132 = arith.addi %add3A_100, %add3A_131 : i32
        %add3A_133 = arith.addi %multiple_of3A_9, %add3A_132 : i32
        %mul3A_134 = arith.constant 128 : i32
        %mul3A_135 = arith.muli %add3A_133, %mul3A_134 : i32
        %multiple_of3A_136 = tpu.assume_multiple %mul3A_135, 8 : i32
        %dma_start3A_137 = tpu.memref_slice %arg3[%multiple_of3A_136] : memref<327680xi32, #tpu.memory_space<hbm>> -> memref<128xi32, #tpu.memory_space<hbm>>
        %dma_start3A_138 = tpu.memref_slice %arg3[%multiple_of3A_136] : memref<327680xi32, #tpu.memory_space<hbm>> -> memref<128xi32, #tpu.memory_space<hbm>>
        tpu.enqueue_dma source(%dma_start3A_138 : memref<128xi32, #tpu.memory_space<hbm>>) target(%arg8 : memref<128xi32, #tpu.memory_space<vmem>>) target_semaphore(%arg14 : memref<!tpu.dma_semaphore, #tpu.memory_space<semaphore_mem>>)
      } else {
      }
    }
    %dma_wait3A = arith.constant 0 : i32
    %dma_wait3A_50 = arith.constant 0 : i32
    %dma_wait3A_51 = tpu.memref_slice %arg2[%dma_wait3A, %dma_wait3A_50] : memref<10000x128xf32, #tpu.memory_space<hbm>> -> memref<128x128xf32, #tpu.memory_space<hbm>>
    %dma_wait3A_52 = arith.constant 0 : i32
    %dma_wait3A_53 = arith.constant 0 : i32
    %dma_wait3A_54 = tpu.memref_slice %arg2[%dma_wait3A_52, %dma_wait3A_53] : memref<10000x128xf32, #tpu.memory_space<hbm>> -> memref<128x128xf32, #tpu.memory_space<hbm>>
    tpu.wait_dma2 semaphore(%arg17 : memref<!tpu.dma_semaphore, #tpu.memory_space<semaphore_mem>>) src(%dma_wait3A_54 : memref<128x128xf32, #tpu.memory_space<hbm>>) dst(%arg9 : memref<128x128xf32, #tpu.memory_space<vmem>>)
    %dma_wait3A_55 = arith.constant 0 : i32
    %dma_wait3A_56 = arith.constant 0 : i32
    %dma_wait3A_57 = tpu.memref_slice %arg2[%dma_wait3A_55, %dma_wait3A_56] : memref<10000x128xf32, #tpu.memory_space<hbm>> -> memref<128x128xf32, #tpu.memory_space<hbm>>
    %dma_wait3A_58 = arith.constant 0 : i32
    %dma_wait3A_59 = arith.constant 0 : i32
    %dma_wait3A_60 = tpu.memref_slice %arg2[%dma_wait3A_58, %dma_wait3A_59] : memref<10000x128xf32, #tpu.memory_space<hbm>> -> memref<128x128xf32, #tpu.memory_space<hbm>>
    tpu.wait_dma2 semaphore(%arg18 : memref<!tpu.dma_semaphore, #tpu.memory_space<semaphore_mem>>) src(%dma_wait3A_60 : memref<128x128xf32, #tpu.memory_space<hbm>>) dst(%arg10 : memref<128x128xf32, #tpu.memory_space<vmem>>)
    %barrier3A_61 = arith.constant 0 : index
    tpu.barrier barrier_id(%barrier3A_61)
    %mul3A_62 = arith.constant 10112 : i32
    %mul3A_63 = arith.muli %arg0, %mul3A_62 : i32
    %add3A_64 = arith.addi %mul3A_63, %multiple_of3A : i32
    %multiple_of3A_65 = tpu.assume_multiple %add3A_64, 8 : i32
    "tpu.region"() ({
      %run_scoped3A = tpu.sem_alloc : memref<!tpu.dma_semaphore, #tpu.memory_space<semaphore_mem>>
      %dma_start3A_66 = arith.constant 0 : i32
      %dma_start3A_67 = tpu.memref_slice %arg6[%multiple_of3A_65, %dma_start3A_66] : memref<20224x128xf32, #tpu.memory_space<hbm>> -> memref<632x128xf32, #tpu.memory_space<hbm>>
      %dma_start3A_68 = arith.constant 0 : i32
      %dma_start3A_69 = tpu.memref_slice %arg12[%multiple_of3A, %dma_start3A_68] : memref<10112x128xf32, #tpu.memory_space<vmem_shared>> -> memref<632x128xf32, #tpu.memory_space<vmem_shared>>
      tpu.enqueue_dma source(%dma_start3A_69 : memref<632x128xf32, #tpu.memory_space<vmem_shared>>) target(%dma_start3A_67 : memref<632x128xf32, #tpu.memory_space<hbm>>) target_semaphore(%run_scoped3A : memref<!tpu.dma_semaphore, #tpu.memory_space<semaphore_mem>>)
      %dma_wait3A_70 = arith.constant 0 : i32
      %dma_wait3A_71 = tpu.memref_slice %arg6[%multiple_of3A_65, %dma_wait3A_70] : memref<20224x128xf32, #tpu.memory_space<hbm>> -> memref<632x128xf32, #tpu.memory_space<hbm>>
      %dma_wait3A_72 = arith.constant 0 : i32
      %dma_wait3A_73 = tpu.memref_slice %arg12[%multiple_of3A, %dma_wait3A_72] : memref<10112x128xf32, #tpu.memory_space<vmem_shared>> -> memref<632x128xf32, #tpu.memory_space<vmem_shared>>
      tpu.wait_dma2 semaphore(%run_scoped3A : memref<!tpu.dma_semaphore, #tpu.memory_space<semaphore_mem>>) src(%dma_wait3A_73 : memref<632x128xf32, #tpu.memory_space<vmem_shared>>) dst(%dma_wait3A_71 : memref<632x128xf32, #tpu.memory_space<hbm>>)
      tpu.yield
    }) : () -> ()
    return
  }
}

#map = affine_map<(d0, d1) -> (0, 0)>
#map1 = affine_map<(d0, d1) -> (0)>
module attributes {stable_mosaic.version = 14 : i64} {
  func.func @body(%arg0: i32, %arg1: i32, %arg2: memref<10000x128xf32, #tpu.memory_space<hbm>>, %arg3: memref<327680xi32, #tpu.memory_space<hbm>>, %arg4: memref<2560x128xi32, #tpu.memory_space<hbm>>, %arg5: memref<10112x128xf32, #tpu.memory_space<hbm>>, %arg6: memref<20224x128xf32, #tpu.memory_space<hbm>>, %arg7: memref<128xi32, #tpu.memory_space<vmem>>, %arg8: memref<128xi32, #tpu.memory_space<vmem>>, %arg9: memref<128x128xf32, #tpu.memory_space<vmem>>, %arg10: memref<128x128xf32, #tpu.memory_space<vmem>>, %arg11: memref<80x128xi32, #tpu.memory_space<vmem>>, %arg12: memref<10112x128xf32, #tpu.memory_space<vmem_shared>>, %arg13: memref<!tpu.dma_semaphore, #tpu.memory_space<semaphore_mem>>, %arg14: memref<!tpu.dma_semaphore, #tpu.memory_space<semaphore_mem>>, %arg15: memref<!tpu.dma_semaphore, #tpu.memory_space<semaphore_mem>>, %arg16: memref<!tpu.dma_semaphore, #tpu.memory_space<semaphore_mem>>, %arg17: memref<!tpu.dma_semaphore, #tpu.memory_space<semaphore_mem>>, %arg18: memref<!tpu.dma_semaphore, #tpu.memory_space<semaphore_mem>>) attributes {dimension_semantics = [#tpu.dimension_semantics<core_parallel>, #tpu.dimension_semantics<subcore_parallel>], iteration_bounds = array<i64: 2, 16>, scalar_prefetch = 0 : i64, scratch_operands = 12 : i64, tpu.core_type = #tpu.core_type<sc_vector_subcore>, window_params = [{transform_indices = #map}, {transform_indices = #map1}, {transform_indices = #map}, {transform_indices = #map}, {transform_indices = #map}]} {
    %mul3A = arith.constant 632 : i32
    %mul3A_0 = arith.muli %arg1, %mul3A : i32
    %multiple_of3A = tpu.assume_multiple %mul3A_0, 8 : i32
    %eq3A = arith.constant 1 : i32
    %eq3A_1 = arith.cmpi eq, %arg0, %eq3A : i32
    %jit3A = arith.constant 80 : i32
    %jit3A_2 = arith.constant 80 : i32
    %select_n3A = arith.select %eq3A_1, %jit3A, %jit3A_2 : i32
    %mul3A_3 = arith.constant 80 : i32
    %mul3A_4 = arith.muli %arg1, %mul3A_3 : i32
    %mul3A_5 = arith.constant 80 : i32
    %mul3A_6 = arith.muli %arg1, %mul3A_5 : i32
    %add3A = arith.constant 1280 : i32
    %add3A_7 = arith.addi %add3A, %mul3A_6 : i32
    %select_n3A_8 = arith.select %eq3A_1, %mul3A_4, %add3A_7 : i32
    %multiple_of3A_9 = tpu.assume_multiple %select_n3A_8, 8 : i32
    "tpu.region"() ({
      %run_scoped3A = tpu.sem_alloc : memref<!tpu.dma_semaphore, #tpu.memory_space<semaphore_mem>>
      %dma_start3A_66 = arith.constant 0 : i32
      %dma_start3A_67 = tpu.memref_slice %arg4[%multiple_of3A_9, %dma_start3A_66] : memref<2560x128xi32, #tpu.memory_space<hbm>> -> memref<80x128xi32, #tpu.memory_space<hbm>>
      %dma_start3A_68 = arith.constant 0 : i32
      %dma_start3A_69 = tpu.memref_slice %arg4[%multiple_of3A_9, %dma_start3A_68] : memref<2560x128xi32, #tpu.memory_space<hbm>> -> memref<80x128xi32, #tpu.memory_space<hbm>>
      tpu.enqueue_dma source(%dma_start3A_69 : memref<80x128xi32, #tpu.memory_space<hbm>>) target(%arg11 : memref<80x128xi32, #tpu.memory_space<vmem>>) target_semaphore(%run_scoped3A : memref<!tpu.dma_semaphore, #tpu.memory_space<semaphore_mem>>)
      %dma_wait3A_70 = arith.constant 0 : i32
      %dma_wait3A_71 = tpu.memref_slice %arg4[%multiple_of3A_9, %dma_wait3A_70] : memref<2560x128xi32, #tpu.memory_space<hbm>> -> memref<80x128xi32, #tpu.memory_space<hbm>>
      %dma_wait3A_72 = arith.constant 0 : i32
      %dma_wait3A_73 = tpu.memref_slice %arg4[%multiple_of3A_9, %dma_wait3A_72] : memref<2560x128xi32, #tpu.memory_space<hbm>> -> memref<80x128xi32, #tpu.memory_space<hbm>>
      tpu.wait_dma2 semaphore(%run_scoped3A : memref<!tpu.dma_semaphore, #tpu.memory_space<semaphore_mem>>) src(%dma_wait3A_73 : memref<80x128xi32, #tpu.memory_space<hbm>>) dst(%arg11 : memref<80x128xi32, #tpu.memory_space<vmem>>)
      tpu.yield
    }) : () -> ()
    "tpu.region"() ({
      %run_scoped3A = tpu.sem_alloc : memref<!tpu.dma_semaphore, #tpu.memory_space<semaphore_mem>>
      %dma_start3A_66 = arith.constant 0 : i32
      %dma_start3A_67 = tpu.memref_slice %arg12[%multiple_of3A, %dma_start3A_66] : memref<10112x128xf32, #tpu.memory_space<vmem_shared>> -> memref<632x128xf32, #tpu.memory_space<vmem_shared>>
      %dma_start3A_68 = arith.constant 0 : i32
      %dma_start3A_69 = tpu.memref_slice %arg5[%multiple_of3A, %dma_start3A_68] : memref<10112x128xf32, #tpu.memory_space<hbm>> -> memref<632x128xf32, #tpu.memory_space<hbm>>
      tpu.enqueue_dma source(%dma_start3A_69 : memref<632x128xf32, #tpu.memory_space<hbm>>) target(%dma_start3A_67 : memref<632x128xf32, #tpu.memory_space<vmem_shared>>) target_semaphore(%run_scoped3A : memref<!tpu.dma_semaphore, #tpu.memory_space<semaphore_mem>>)
      %dma_wait3A_70 = arith.constant 0 : i32
      %dma_wait3A_71 = tpu.memref_slice %arg12[%multiple_of3A, %dma_wait3A_70] : memref<10112x128xf32, #tpu.memory_space<vmem_shared>> -> memref<632x128xf32, #tpu.memory_space<vmem_shared>>
      %dma_wait3A_72 = arith.constant 0 : i32
      %dma_wait3A_73 = tpu.memref_slice %arg5[%multiple_of3A, %dma_wait3A_72] : memref<10112x128xf32, #tpu.memory_space<hbm>> -> memref<632x128xf32, #tpu.memory_space<hbm>>
      tpu.wait_dma2 semaphore(%run_scoped3A : memref<!tpu.dma_semaphore, #tpu.memory_space<semaphore_mem>>) src(%dma_wait3A_73 : memref<632x128xf32, #tpu.memory_space<hbm>>) dst(%dma_wait3A_71 : memref<632x128xf32, #tpu.memory_space<vmem_shared>>)
      tpu.yield
    }) : () -> ()
    %barrier3A = arith.constant 0 : index
    tpu.barrier barrier_id(%barrier3A)
    %add3A_10 = arith.constant 0 : i32
    %add3A_11 = arith.addi %multiple_of3A_9, %add3A_10 : i32
    %mul3A_12 = arith.constant 128 : i32
    %mul3A_13 = arith.muli %add3A_11, %mul3A_12 : i32
    %multiple_of3A_14 = tpu.assume_multiple %mul3A_13, 8 : i32
    %dma_start3A = tpu.memref_slice %arg3[%multiple_of3A_14] : memref<327680xi32, #tpu.memory_space<hbm>> -> memref<128xi32, #tpu.memory_space<hbm>>
    %dma_start3A_15 = tpu.memref_slice %arg3[%multiple_of3A_14] : memref<327680xi32, #tpu.memory_space<hbm>> -> memref<128xi32, #tpu.memory_space<hbm>>
    tpu.enqueue_dma source(%dma_start3A_15 : memref<128xi32, #tpu.memory_space<hbm>>) target(%arg7 : memref<128xi32, #tpu.memory_space<vmem>>) target_semaphore(%arg13 : memref<!tpu.dma_semaphore, #tpu.memory_space<semaphore_mem>>)
    %add3A_16 = arith.constant 1 : i32
    %add3A_17 = arith.addi %multiple_of3A_9, %add3A_16 : i32
    %mul3A_18 = arith.constant 128 : i32
    %mul3A_19 = arith.muli %add3A_17, %mul3A_18 : i32
    %multiple_of3A_20 = tpu.assume_multiple %mul3A_19, 8 : i32
    %dma_start3A_21 = tpu.memref_slice %arg3[%multiple_of3A_20] : memref<327680xi32, #tpu.memory_space<hbm>> -> memref<128xi32, #tpu.memory_space<hbm>>
    %dma_start3A_22 = tpu.memref_slice %arg3[%multiple_of3A_20] : memref<327680xi32, #tpu.memory_space<hbm>> -> memref<128xi32, #tpu.memory_space<hbm>>
    tpu.enqueue_dma source(%dma_start3A_22 : memref<128xi32, #tpu.memory_space<hbm>>) target(%arg8 : memref<128xi32, #tpu.memory_space<vmem>>) target_semaphore(%arg14 : memref<!tpu.dma_semaphore, #tpu.memory_space<semaphore_mem>>)
    %jit3A_23 = arith.constant 2 : i32
    %div3A = arith.divsi %select_n3A, %jit3A_23 : i32
    %sign3A = arith.constant 0 : i32
    %sign3A_24 = arith.cmpi sgt, %select_n3A, %sign3A : i32
    %sign3A_25 = arith.extui %sign3A_24 : i1 to i32
    %sign3A_26 = arith.constant 0 : i32
    %sign3A_27 = arith.cmpi slt, %select_n3A, %sign3A_26 : i32
    %sign3A_28 = arith.extui %sign3A_27 : i1 to i32
    %sign3A_29 = arith.subi %sign3A_25, %sign3A_28 : i32
    %sign3A_30 = arith.constant 0 : i32
    %sign3A_31 = arith.cmpi sgt, %jit3A_23, %sign3A_30 : i32
    %sign3A_32 = arith.extui %sign3A_31 : i1 to i32
    %sign3A_33 = arith.constant 0 : i32
    %sign3A_34 = arith.cmpi slt, %jit3A_23, %sign3A_33 : i32
    %sign3A_35 = arith.extui %sign3A_34 : i1 to i32
    %sign3A_36 = arith.subi %sign3A_32, %sign3A_35 : i32
    %ne3A = arith.cmpi ne, %sign3A_29, %sign3A_36 : i32
    %rem3A = arith.remsi %select_n3A, %jit3A_23 : i32
    %ne3A_37 = arith.constant 0 : i32
    %ne3A_38 = arith.cmpi ne, %rem3A, %ne3A_37 : i32
    %and3A = arith.andi %ne3A, %ne3A_38 : i1
    %sub3A = arith.constant 1 : i32
    %sub3A_39 = arith.subi %div3A, %sub3A : i32
    %select_n3A_40 = arith.select %and3A, %sub3A_39, %div3A : i32
    %while3A = arith.constant 0 : i32
    %while3A_41 = arith.constant 0 : i32
    %while3A_42 = arith.subi %select_n3A_40, %while3A_41 : i32
    %while3A_43 = arith.addi %while3A_41, %while3A_42 : i32
    %while3A_44 = arith.constant 1 : i32
    %while3A_45 = arith.divsi %while3A_42, %while3A_44 : i32
    %while3A_46 = arith.muli %while3A_45, %while3A_44 : i32
    %while3A_47 = arith.addi %while3A_41, %while3A_46 : i32
    %while3A_48 = arith.constant 1 : i32
    scf.for %while3A_66 = %while3A_41 to %while3A_47 step %while3A_48  : i32 {
      %mul3A_67 = arith.constant 2 : i32
      %mul3A_68 = arith.muli %while3A_66, %mul3A_67 : i32
      %add3A_69 = arith.constant 0 : i32
      %add3A_70 = arith.addi %mul3A_68, %add3A_69 : i32
      %gt3A = arith.constant 0 : i32
      %gt3A_71 = arith.cmpi sgt, %while3A_66, %gt3A : i32
      %convert_element_type3A = arith.extui %gt3A_71 : i1 to i32
      %cond3A = arith.constant 0 : i32
      %cond3A_72 = arith.cmpi ne, %convert_element_type3A, %cond3A : i32
      scf.if %cond3A_72 {
        %dma_wait3A_131 = arith.constant 0 : i32
        %dma_wait3A_132 = arith.constant 0 : i32
        %dma_wait3A_133 = tpu.memref_slice %arg2[%dma_wait3A_131, %dma_wait3A_132] : memref<10000x128xf32, #tpu.memory_space<hbm>> -> memref<128x128xf32, #tpu.memory_space<hbm>>
        %dma_wait3A_134 = arith.constant 0 : i32
        %dma_wait3A_135 = arith.constant 0 : i32
        %dma_wait3A_136 = tpu.memref_slice %arg2[%dma_wait3A_134, %dma_wait3A_135] : memref<10000x128xf32, #tpu.memory_space<hbm>> -> memref<128x128xf32, #tpu.memory_space<hbm>>
        tpu.wait_dma2 semaphore(%arg17 : memref<!tpu.dma_semaphore, #tpu.memory_space<semaphore_mem>>) src(%dma_wait3A_136 : memref<128x128xf32, #tpu.memory_space<hbm>>) dst(%arg9 : memref<128x128xf32, #tpu.memory_space<vmem>>)
      } else {
      }
      %dma_wait3A_73 = arith.constant 0 : i32
      %dma_wait3A_74 = tpu.memref_slice %arg3[%dma_wait3A_73] : memref<327680xi32, #tpu.memory_space<hbm>> -> memref<128xi32, #tpu.memory_space<hbm>>
      %dma_wait3A_75 = arith.constant 0 : i32
      %dma_wait3A_76 = tpu.memref_slice %arg3[%dma_wait3A_75] : memref<327680xi32, #tpu.memory_space<hbm>> -> memref<128xi32, #tpu.memory_space<hbm>>
      tpu.wait_dma2 semaphore(%arg13 : memref<!tpu.dma_semaphore, #tpu.memory_space<semaphore_mem>>) src(%dma_wait3A_76 : memref<128xi32, #tpu.memory_space<hbm>>) dst(%arg7 : memref<128xi32, #tpu.memory_space<vmem>>)
      %dma_start3A_77 = arith.constant 0 : i32
      %dma_start3A_78 = arith.constant 0 : i32
      %dma_start3A_79 = tpu.memref_slice %arg2[%dma_start3A_77, %dma_start3A_78] : memref<10000x128xf32, #tpu.memory_space<hbm>> -> memref<10000x128xf32, #tpu.memory_space<hbm>>
      tpu.enqueue_indirect_dma source(%dma_start3A_79 : memref<10000x128xf32, #tpu.memory_space<hbm>>) target(%arg9 : memref<128x128xf32, #tpu.memory_space<vmem>>) offsets(%arg7 : memref<128xi32, #tpu.memory_space<vmem>>) semaphore(%arg15 : memref<!tpu.dma_semaphore, #tpu.memory_space<semaphore_mem>>)
      %dma_wait3A_80 = arith.constant 0 : i32
      %dma_wait3A_81 = arith.constant 0 : i32
      %dma_wait3A_82 = tpu.memref_slice %arg2[%dma_wait3A_80, %dma_wait3A_81] : memref<10000x128xf32, #tpu.memory_space<hbm>> -> memref<128x128xf32, #tpu.memory_space<hbm>>
      %dma_wait3A_83 = arith.constant 0 : i32
      %dma_wait3A_84 = arith.constant 0 : i32
      %dma_wait3A_85 = tpu.memref_slice %arg2[%dma_wait3A_83, %dma_wait3A_84] : memref<10000x128xf32, #tpu.memory_space<hbm>> -> memref<128x128xf32, #tpu.memory_space<hbm>>
      tpu.wait_dma2 semaphore(%arg15 : memref<!tpu.dma_semaphore, #tpu.memory_space<semaphore_mem>>) src(%dma_wait3A_85 : memref<128x128xf32, #tpu.memory_space<hbm>>) dst(%arg9 : memref<128x128xf32, #tpu.memory_space<vmem>>)
      %dma_start3A_86 = arith.constant 0 : i32
      %dma_start3A_87 = tpu.memref_slice %arg11[%add3A_70, %dma_start3A_86] : memref<80x128xi32, #tpu.memory_space<vmem>> -> memref<1x128xi32, #tpu.memory_space<vmem>>
      %dma_start3A_88 = tpu.memref_squeeze %dma_start3A_87 : memref<1x128xi32, #tpu.memory_space<vmem>> -> memref<128xi32, #tpu.memory_space<vmem>>
      %dma_start3A_89 = arith.constant 0 : i32
      %dma_start3A_90 = arith.constant 0 : i32
      %dma_start3A_91 = tpu.memref_slice %arg12[%dma_start3A_89, %dma_start3A_90] : memref<10112x128xf32, #tpu.memory_space<vmem_shared>> -> memref<10112x128xf32, #tpu.memory_space<vmem_shared>>
      tpu.enqueue_indirect_dma source(%arg9 : memref<128x128xf32, #tpu.memory_space<vmem>>) target(%dma_start3A_91 : memref<10112x128xf32, #tpu.memory_space<vmem_shared>>) offsets(%dma_start3A_88 : memref<128xi32, #tpu.memory_space<vmem>>) semaphore(%arg17 : memref<!tpu.dma_semaphore, #tpu.memory_space<semaphore_mem>>) {add = true}
      %add3A_92 = arith.constant 2 : i32
      %add3A_93 = arith.addi %add3A_70, %add3A_92 : i32
      %lt3A = arith.cmpi slt, %add3A_93, %select_n3A : i32
      %convert_element_type3A_94 = arith.extui %lt3A : i1 to i32
      %cond3A_95 = arith.constant 0 : i32
      %cond3A_96 = arith.cmpi ne, %convert_element_type3A_94, %cond3A_95 : i32
      scf.if %cond3A_96 {
        %add3A_131 = arith.constant 2 : i32
        %add3A_132 = arith.addi %add3A_70, %add3A_131 : i32
        %add3A_133 = arith.addi %multiple_of3A_9, %add3A_132 : i32
        %mul3A_134 = arith.constant 128 : i32
        %mul3A_135 = arith.muli %add3A_133, %mul3A_134 : i32
        %multiple_of3A_136 = tpu.assume_multiple %mul3A_135, 8 : i32
        %dma_start3A_137 = tpu.memref_slice %arg3[%multiple_of3A_136] : memref<327680xi32, #tpu.memory_space<hbm>> -> memref<128xi32, #tpu.memory_space<hbm>>
        %dma_start3A_138 = tpu.memref_slice %arg3[%multiple_of3A_136] : memref<327680xi32, #tpu.memory_space<hbm>> -> memref<128xi32, #tpu.memory_space<hbm>>
        tpu.enqueue_dma source(%dma_start3A_138 : memref<128xi32, #tpu.memory_space<hbm>>) target(%arg7 : memref<128xi32, #tpu.memory_space<vmem>>) target_semaphore(%arg13 : memref<!tpu.dma_semaphore, #tpu.memory_space<semaphore_mem>>)
      } else {
      }
      %mul3A_97 = arith.constant 2 : i32
      %mul3A_98 = arith.muli %while3A_66, %mul3A_97 : i32
      %add3A_99 = arith.constant 1 : i32
      %add3A_100 = arith.addi %mul3A_98, %add3A_99 : i32
      %gt3A_101 = arith.constant 0 : i32
      %gt3A_102 = arith.cmpi sgt, %while3A_66, %gt3A_101 : i32
      %convert_element_type3A_103 = arith.extui %gt3A_102 : i1 to i32
      %cond3A_104 = arith.constant 0 : i32
      %cond3A_105 = arith.cmpi ne, %convert_element_type3A_103, %cond3A_104 : i32
      scf.if %cond3A_105 {
        %dma_wait3A_131 = arith.constant 0 : i32
        %dma_wait3A_132 = arith.constant 0 : i32
        %dma_wait3A_133 = tpu.memref_slice %arg2[%dma_wait3A_131, %dma_wait3A_132] : memref<10000x128xf32, #tpu.memory_space<hbm>> -> memref<128x128xf32, #tpu.memory_space<hbm>>
        %dma_wait3A_134 = arith.constant 0 : i32
        %dma_wait3A_135 = arith.constant 0 : i32
        %dma_wait3A_136 = tpu.memref_slice %arg2[%dma_wait3A_134, %dma_wait3A_135] : memref<10000x128xf32, #tpu.memory_space<hbm>> -> memref<128x128xf32, #tpu.memory_space<hbm>>
        tpu.wait_dma2 semaphore(%arg18 : memref<!tpu.dma_semaphore, #tpu.memory_space<semaphore_mem>>) src(%dma_wait3A_136 : memref<128x128xf32, #tpu.memory_space<hbm>>) dst(%arg10 : memref<128x128xf32, #tpu.memory_space<vmem>>)
      } else {
      }
      %dma_wait3A_106 = arith.constant 0 : i32
      %dma_wait3A_107 = tpu.memref_slice %arg3[%dma_wait3A_106] : memref<327680xi32, #tpu.memory_space<hbm>> -> memref<128xi32, #tpu.memory_space<hbm>>
      %dma_wait3A_108 = arith.constant 0 : i32
      %dma_wait3A_109 = tpu.memref_slice %arg3[%dma_wait3A_108] : memref<327680xi32, #tpu.memory_space<hbm>> -> memref<128xi32, #tpu.memory_space<hbm>>
      tpu.wait_dma2 semaphore(%arg14 : memref<!tpu.dma_semaphore, #tpu.memory_space<semaphore_mem>>) src(%dma_wait3A_109 : memref<128xi32, #tpu.memory_space<hbm>>) dst(%arg8 : memref<128xi32, #tpu.memory_space<vmem>>)
      %dma_start3A_110 = arith.constant 0 : i32
      %dma_start3A_111 = arith.constant 0 : i32
      %dma_start3A_112 = tpu.memref_slice %arg2[%dma_start3A_110, %dma_start3A_111] : memref<10000x128xf32, #tpu.memory_space<hbm>> -> memref<10000x128xf32, #tpu.memory_space<hbm>>
      tpu.enqueue_indirect_dma source(%dma_start3A_112 : memref<10000x128xf32, #tpu.memory_space<hbm>>) target(%arg10 : memref<128x128xf32, #tpu.memory_space<vmem>>) offsets(%arg8 : memref<128xi32, #tpu.memory_space<vmem>>) semaphore(%arg16 : memref<!tpu.dma_semaphore, #tpu.memory_space<semaphore_mem>>)
      %dma_wait3A_113 = arith.constant 0 : i32
      %dma_wait3A_114 = arith.constant 0 : i32
      %dma_wait3A_115 = tpu.memref_slice %arg2[%dma_wait3A_113, %dma_wait3A_114] : memref<10000x128xf32, #tpu.memory_space<hbm>> -> memref<128x128xf32, #tpu.memory_space<hbm>>
      %dma_wait3A_116 = arith.constant 0 : i32
      %dma_wait3A_117 = arith.constant 0 : i32
      %dma_wait3A_118 = tpu.memref_slice %arg2[%dma_wait3A_116, %dma_wait3A_117] : memref<10000x128xf32, #tpu.memory_space<hbm>> -> memref<128x128xf32, #tpu.memory_space<hbm>>
      tpu.wait_dma2 semaphore(%arg16 : memref<!tpu.dma_semaphore, #tpu.memory_space<semaphore_mem>>) src(%dma_wait3A_118 : memref<128x128xf32, #tpu.memory_space<hbm>>) dst(%arg10 : memref<128x128xf32, #tpu.memory_space<vmem>>)
      %dma_start3A_119 = arith.constant 0 : i32
      %dma_start3A_120 = tpu.memref_slice %arg11[%add3A_100, %dma_start3A_119] : memref<80x128xi32, #tpu.memory_space<vmem>> -> memref<1x128xi32, #tpu.memory_space<vmem>>
      %dma_start3A_121 = tpu.memref_squeeze %dma_start3A_120 : memref<1x128xi32, #tpu.memory_space<vmem>> -> memref<128xi32, #tpu.memory_space<vmem>>
      %dma_start3A_122 = arith.constant 0 : i32
      %dma_start3A_123 = arith.constant 0 : i32
      %dma_start3A_124 = tpu.memref_slice %arg12[%dma_start3A_122, %dma_start3A_123] : memref<10112x128xf32, #tpu.memory_space<vmem_shared>> -> memref<10112x128xf32, #tpu.memory_space<vmem_shared>>
      tpu.enqueue_indirect_dma source(%arg10 : memref<128x128xf32, #tpu.memory_space<vmem>>) target(%dma_start3A_124 : memref<10112x128xf32, #tpu.memory_space<vmem_shared>>) offsets(%dma_start3A_121 : memref<128xi32, #tpu.memory_space<vmem>>) semaphore(%arg18 : memref<!tpu.dma_semaphore, #tpu.memory_space<semaphore_mem>>) {add = true}
      %add3A_125 = arith.constant 2 : i32
      %add3A_126 = arith.addi %add3A_100, %add3A_125 : i32
      %lt3A_127 = arith.cmpi slt, %add3A_126, %select_n3A : i32
      %convert_element_type3A_128 = arith.extui %lt3A_127 : i1 to i32
      %cond3A_129 = arith.constant 0 : i32
      %cond3A_130 = arith.cmpi ne, %convert_element_type3A_128, %cond3A_129 : i32
      scf.if %cond3A_130 {
        %add3A_131 = arith.constant 2 : i32
        %add3A_132 = arith.addi %add3A_100, %add3A_131 : i32
        %add3A_133 = arith.addi %multiple_of3A_9, %add3A_132 : i32
        %mul3A_134 = arith.constant 128 : i32
        %mul3A_135 = arith.muli %add3A_133, %mul3A_134 : i32
        %multiple_of3A_136 = tpu.assume_multiple %mul3A_135, 8 : i32
        %dma_start3A_137 = tpu.memref_slice %arg3[%multiple_of3A_136] : memref<327680xi32, #tpu.memory_space<hbm>> -> memref<128xi32, #tpu.memory_space<hbm>>
        %dma_start3A_138 = tpu.memref_slice %arg3[%multiple_of3A_136] : memref<327680xi32, #tpu.memory_space<hbm>> -> memref<128xi32, #tpu.memory_space<hbm>>
        tpu.enqueue_dma source(%dma_start3A_138 : memref<128xi32, #tpu.memory_space<hbm>>) target(%arg8 : memref<128xi32, #tpu.memory_space<vmem>>) target_semaphore(%arg14 : memref<!tpu.dma_semaphore, #tpu.memory_space<semaphore_mem>>)
      } else {
      }
    }
    %while3A_49 = arith.constant 1 : i32
    scf.for %while3A_66 = %while3A_47 to %while3A_43 step %while3A_49  : i32 {
      %mul3A_67 = arith.constant 2 : i32
      %mul3A_68 = arith.muli %while3A_66, %mul3A_67 : i32
      %add3A_69 = arith.constant 0 : i32
      %add3A_70 = arith.addi %mul3A_68, %add3A_69 : i32
      %gt3A = arith.constant 0 : i32
      %gt3A_71 = arith.cmpi sgt, %while3A_66, %gt3A : i32
      %convert_element_type3A = arith.extui %gt3A_71 : i1 to i32
      %cond3A = arith.constant 0 : i32
      %cond3A_72 = arith.cmpi ne, %convert_element_type3A, %cond3A : i32
      scf.if %cond3A_72 {
        %dma_wait3A_131 = arith.constant 0 : i32
        %dma_wait3A_132 = arith.constant 0 : i32
        %dma_wait3A_133 = tpu.memref_slice %arg2[%dma_wait3A_131, %dma_wait3A_132] : memref<10000x128xf32, #tpu.memory_space<hbm>> -> memref<128x128xf32, #tpu.memory_space<hbm>>
        %dma_wait3A_134 = arith.constant 0 : i32
        %dma_wait3A_135 = arith.constant 0 : i32
        %dma_wait3A_136 = tpu.memref_slice %arg2[%dma_wait3A_134, %dma_wait3A_135] : memref<10000x128xf32, #tpu.memory_space<hbm>> -> memref<128x128xf32, #tpu.memory_space<hbm>>
        tpu.wait_dma2 semaphore(%arg17 : memref<!tpu.dma_semaphore, #tpu.memory_space<semaphore_mem>>) src(%dma_wait3A_136 : memref<128x128xf32, #tpu.memory_space<hbm>>) dst(%arg9 : memref<128x128xf32, #tpu.memory_space<vmem>>)
      } else {
      }
      %dma_wait3A_73 = arith.constant 0 : i32
      %dma_wait3A_74 = tpu.memref_slice %arg3[%dma_wait3A_73] : memref<327680xi32, #tpu.memory_space<hbm>> -> memref<128xi32, #tpu.memory_space<hbm>>
      %dma_wait3A_75 = arith.constant 0 : i32
      %dma_wait3A_76 = tpu.memref_slice %arg3[%dma_wait3A_75] : memref<327680xi32, #tpu.memory_space<hbm>> -> memref<128xi32, #tpu.memory_space<hbm>>
      tpu.wait_dma2 semaphore(%arg13 : memref<!tpu.dma_semaphore, #tpu.memory_space<semaphore_mem>>) src(%dma_wait3A_76 : memref<128xi32, #tpu.memory_space<hbm>>) dst(%arg7 : memref<128xi32, #tpu.memory_space<vmem>>)
      %dma_start3A_77 = arith.constant 0 : i32
      %dma_start3A_78 = arith.constant 0 : i32
      %dma_start3A_79 = tpu.memref_slice %arg2[%dma_start3A_77, %dma_start3A_78] : memref<10000x128xf32, #tpu.memory_space<hbm>> -> memref<10000x128xf32, #tpu.memory_space<hbm>>
      tpu.enqueue_indirect_dma source(%dma_start3A_79 : memref<10000x128xf32, #tpu.memory_space<hbm>>) target(%arg9 : memref<128x128xf32, #tpu.memory_space<vmem>>) offsets(%arg7 : memref<128xi32, #tpu.memory_space<vmem>>) semaphore(%arg15 : memref<!tpu.dma_semaphore, #tpu.memory_space<semaphore_mem>>)
      %dma_wait3A_80 = arith.constant 0 : i32
      %dma_wait3A_81 = arith.constant 0 : i32
      %dma_wait3A_82 = tpu.memref_slice %arg2[%dma_wait3A_80, %dma_wait3A_81] : memref<10000x128xf32, #tpu.memory_space<hbm>> -> memref<128x128xf32, #tpu.memory_space<hbm>>
      %dma_wait3A_83 = arith.constant 0 : i32
      %dma_wait3A_84 = arith.constant 0 : i32
      %dma_wait3A_85 = tpu.memref_slice %arg2[%dma_wait3A_83, %dma_wait3A_84] : memref<10000x128xf32, #tpu.memory_space<hbm>> -> memref<128x128xf32, #tpu.memory_space<hbm>>
      tpu.wait_dma2 semaphore(%arg15 : memref<!tpu.dma_semaphore, #tpu.memory_space<semaphore_mem>>) src(%dma_wait3A_85 : memref<128x128xf32, #tpu.memory_space<hbm>>) dst(%arg9 : memref<128x128xf32, #tpu.memory_space<vmem>>)
      %dma_start3A_86 = arith.constant 0 : i32
      %dma_start3A_87 = tpu.memref_slice %arg11[%add3A_70, %dma_start3A_86] : memref<80x128xi32, #tpu.memory_space<vmem>> -> memref<1x128xi32, #tpu.memory_space<vmem>>
      %dma_start3A_88 = tpu.memref_squeeze %dma_start3A_87 : memref<1x128xi32, #tpu.memory_space<vmem>> -> memref<128xi32, #tpu.memory_space<vmem>>
      %dma_start3A_89 = arith.constant 0 : i32
      %dma_start3A_90 = arith.constant 0 : i32
      %dma_start3A_91 = tpu.memref_slice %arg12[%dma_start3A_89, %dma_start3A_90] : memref<10112x128xf32, #tpu.memory_space<vmem_shared>> -> memref<10112x128xf32, #tpu.memory_space<vmem_shared>>
      tpu.enqueue_indirect_dma source(%arg9 : memref<128x128xf32, #tpu.memory_space<vmem>>) target(%dma_start3A_91 : memref<10112x128xf32, #tpu.memory_space<vmem_shared>>) offsets(%dma_start3A_88 : memref<128xi32, #tpu.memory_space<vmem>>) semaphore(%arg17 : memref<!tpu.dma_semaphore, #tpu.memory_space<semaphore_mem>>) {add = true}
      %add3A_92 = arith.constant 2 : i32
      %add3A_93 = arith.addi %add3A_70, %add3A_92 : i32
      %lt3A = arith.cmpi slt, %add3A_93, %select_n3A : i32
      %convert_element_type3A_94 = arith.extui %lt3A : i1 to i32
      %cond3A_95 = arith.constant 0 : i32
      %cond3A_96 = arith.cmpi ne, %convert_element_type3A_94, %cond3A_95 : i32
      scf.if %cond3A_96 {
        %add3A_131 = arith.constant 2 : i32
        %add3A_132 = arith.addi %add3A_70, %add3A_131 : i32
        %add3A_133 = arith.addi %multiple_of3A_9, %add3A_132 : i32
        %mul3A_134 = arith.constant 128 : i32
        %mul3A_135 = arith.muli %add3A_133, %mul3A_134 : i32
        %multiple_of3A_136 = tpu.assume_multiple %mul3A_135, 8 : i32
        %dma_start3A_137 = tpu.memref_slice %arg3[%multiple_of3A_136] : memref<327680xi32, #tpu.memory_space<hbm>> -> memref<128xi32, #tpu.memory_space<hbm>>
        %dma_start3A_138 = tpu.memref_slice %arg3[%multiple_of3A_136] : memref<327680xi32, #tpu.memory_space<hbm>> -> memref<128xi32, #tpu.memory_space<hbm>>
        tpu.enqueue_dma source(%dma_start3A_138 : memref<128xi32, #tpu.memory_space<hbm>>) target(%arg7 : memref<128xi32, #tpu.memory_space<vmem>>) target_semaphore(%arg13 : memref<!tpu.dma_semaphore, #tpu.memory_space<semaphore_mem>>)
      } else {
      }
      %mul3A_97 = arith.constant 2 : i32
      %mul3A_98 = arith.muli %while3A_66, %mul3A_97 : i32
      %add3A_99 = arith.constant 1 : i32
      %add3A_100 = arith.addi %mul3A_98, %add3A_99 : i32
      %gt3A_101 = arith.constant 0 : i32
      %gt3A_102 = arith.cmpi sgt, %while3A_66, %gt3A_101 : i32
      %convert_element_type3A_103 = arith.extui %gt3A_102 : i1 to i32
      %cond3A_104 = arith.constant 0 : i32
      %cond3A_105 = arith.cmpi ne, %convert_element_type3A_103, %cond3A_104 : i32
      scf.if %cond3A_105 {
        %dma_wait3A_131 = arith.constant 0 : i32
        %dma_wait3A_132 = arith.constant 0 : i32
        %dma_wait3A_133 = tpu.memref_slice %arg2[%dma_wait3A_131, %dma_wait3A_132] : memref<10000x128xf32, #tpu.memory_space<hbm>> -> memref<128x128xf32, #tpu.memory_space<hbm>>
        %dma_wait3A_134 = arith.constant 0 : i32
        %dma_wait3A_135 = arith.constant 0 : i32
        %dma_wait3A_136 = tpu.memref_slice %arg2[%dma_wait3A_134, %dma_wait3A_135] : memref<10000x128xf32, #tpu.memory_space<hbm>> -> memref<128x128xf32, #tpu.memory_space<hbm>>
        tpu.wait_dma2 semaphore(%arg18 : memref<!tpu.dma_semaphore, #tpu.memory_space<semaphore_mem>>) src(%dma_wait3A_136 : memref<128x128xf32, #tpu.memory_space<hbm>>) dst(%arg10 : memref<128x128xf32, #tpu.memory_space<vmem>>)
      } else {
      }
      %dma_wait3A_106 = arith.constant 0 : i32
      %dma_wait3A_107 = tpu.memref_slice %arg3[%dma_wait3A_106] : memref<327680xi32, #tpu.memory_space<hbm>> -> memref<128xi32, #tpu.memory_space<hbm>>
      %dma_wait3A_108 = arith.constant 0 : i32
      %dma_wait3A_109 = tpu.memref_slice %arg3[%dma_wait3A_108] : memref<327680xi32, #tpu.memory_space<hbm>> -> memref<128xi32, #tpu.memory_space<hbm>>
      tpu.wait_dma2 semaphore(%arg14 : memref<!tpu.dma_semaphore, #tpu.memory_space<semaphore_mem>>) src(%dma_wait3A_109 : memref<128xi32, #tpu.memory_space<hbm>>) dst(%arg8 : memref<128xi32, #tpu.memory_space<vmem>>)
      %dma_start3A_110 = arith.constant 0 : i32
      %dma_start3A_111 = arith.constant 0 : i32
      %dma_start3A_112 = tpu.memref_slice %arg2[%dma_start3A_110, %dma_start3A_111] : memref<10000x128xf32, #tpu.memory_space<hbm>> -> memref<10000x128xf32, #tpu.memory_space<hbm>>
      tpu.enqueue_indirect_dma source(%dma_start3A_112 : memref<10000x128xf32, #tpu.memory_space<hbm>>) target(%arg10 : memref<128x128xf32, #tpu.memory_space<vmem>>) offsets(%arg8 : memref<128xi32, #tpu.memory_space<vmem>>) semaphore(%arg16 : memref<!tpu.dma_semaphore, #tpu.memory_space<semaphore_mem>>)
      %dma_wait3A_113 = arith.constant 0 : i32
      %dma_wait3A_114 = arith.constant 0 : i32
      %dma_wait3A_115 = tpu.memref_slice %arg2[%dma_wait3A_113, %dma_wait3A_114] : memref<10000x128xf32, #tpu.memory_space<hbm>> -> memref<128x128xf32, #tpu.memory_space<hbm>>
      %dma_wait3A_116 = arith.constant 0 : i32
      %dma_wait3A_117 = arith.constant 0 : i32
      %dma_wait3A_118 = tpu.memref_slice %arg2[%dma_wait3A_116, %dma_wait3A_117] : memref<10000x128xf32, #tpu.memory_space<hbm>> -> memref<128x128xf32, #tpu.memory_space<hbm>>
      tpu.wait_dma2 semaphore(%arg16 : memref<!tpu.dma_semaphore, #tpu.memory_space<semaphore_mem>>) src(%dma_wait3A_118 : memref<128x128xf32, #tpu.memory_space<hbm>>) dst(%arg10 : memref<128x128xf32, #tpu.memory_space<vmem>>)
      %dma_start3A_119 = arith.constant 0 : i32
      %dma_start3A_120 = tpu.memref_slice %arg11[%add3A_100, %dma_start3A_119] : memref<80x128xi32, #tpu.memory_space<vmem>> -> memref<1x128xi32, #tpu.memory_space<vmem>>
      %dma_start3A_121 = tpu.memref_squeeze %dma_start3A_120 : memref<1x128xi32, #tpu.memory_space<vmem>> -> memref<128xi32, #tpu.memory_space<vmem>>
      %dma_start3A_122 = arith.constant 0 : i32
      %dma_start3A_123 = arith.constant 0 : i32
      %dma_start3A_124 = tpu.memref_slice %arg12[%dma_start3A_122, %dma_start3A_123] : memref<10112x128xf32, #tpu.memory_space<vmem_shared>> -> memref<10112x128xf32, #tpu.memory_space<vmem_shared>>
      tpu.enqueue_indirect_dma source(%arg10 : memref<128x128xf32, #tpu.memory_space<vmem>>) target(%dma_start3A_124 : memref<10112x128xf32, #tpu.memory_space<vmem_shared>>) offsets(%dma_start3A_121 : memref<128xi32, #tpu.memory_space<vmem>>) semaphore(%arg18 : memref<!tpu.dma_semaphore, #tpu.memory_space<semaphore_mem>>) {add = true}
      %add3A_125 = arith.constant 2 : i32
      %add3A_126 = arith.addi %add3A_100, %add3A_125 : i32
      %lt3A_127 = arith.cmpi slt, %add3A_126, %select_n3A : i32
      %convert_element_type3A_128 = arith.extui %lt3A_127 : i1 to i32
      %cond3A_129 = arith.constant 0 : i32
      %cond3A_130 = arith.cmpi ne, %convert_element_type3A_128, %cond3A_129 : i32
      scf.if %cond3A_130 {
        %add3A_131 = arith.constant 2 : i32
        %add3A_132 = arith.addi %add3A_100, %add3A_131 : i32
        %add3A_133 = arith.addi %multiple_of3A_9, %add3A_132 : i32
        %mul3A_134 = arith.constant 128 : i32
        %mul3A_135 = arith.muli %add3A_133, %mul3A_134 : i32
        %multiple_of3A_136 = tpu.assume_multiple %mul3A_135, 8 : i32
        %dma_start3A_137 = tpu.memref_slice %arg3[%multiple_of3A_136] : memref<327680xi32, #tpu.memory_space<hbm>> -> memref<128xi32, #tpu.memory_space<hbm>>
        %dma_start3A_138 = tpu.memref_slice %arg3[%multiple_of3A_136] : memref<327680xi32, #tpu.memory_space<hbm>> -> memref<128xi32, #tpu.memory_space<hbm>>
        tpu.enqueue_dma source(%dma_start3A_138 : memref<128xi32, #tpu.memory_space<hbm>>) target(%arg8 : memref<128xi32, #tpu.memory_space<vmem>>) target_semaphore(%arg14 : memref<!tpu.dma_semaphore, #tpu.memory_space<semaphore_mem>>)
      } else {
      }
    }
    %dma_wait3A = arith.constant 0 : i32
    %dma_wait3A_50 = arith.constant 0 : i32
    %dma_wait3A_51 = tpu.memref_slice %arg2[%dma_wait3A, %dma_wait3A_50] : memref<10000x128xf32, #tpu.memory_space<hbm>> -> memref<128x128xf32, #tpu.memory_space<hbm>>
    %dma_wait3A_52 = arith.constant 0 : i32
    %dma_wait3A_53 = arith.constant 0 : i32
    %dma_wait3A_54 = tpu.memref_slice %arg2[%dma_wait3A_52, %dma_wait3A_53] : memref<10000x128xf32, #tpu.memory_space<hbm>> -> memref<128x128xf32, #tpu.memory_space<hbm>>
    tpu.wait_dma2 semaphore(%arg17 : memref<!tpu.dma_semaphore, #tpu.memory_space<semaphore_mem>>) src(%dma_wait3A_54 : memref<128x128xf32, #tpu.memory_space<hbm>>) dst(%arg9 : memref<128x128xf32, #tpu.memory_space<vmem>>)
    %dma_wait3A_55 = arith.constant 0 : i32
    %dma_wait3A_56 = arith.constant 0 : i32
    %dma_wait3A_57 = tpu.memref_slice %arg2[%dma_wait3A_55, %dma_wait3A_56] : memref<10000x128xf32, #tpu.memory_space<hbm>> -> memref<128x128xf32, #tpu.memory_space<hbm>>
    %dma_wait3A_58 = arith.constant 0 : i32
    %dma_wait3A_59 = arith.constant 0 : i32
    %dma_wait3A_60 = tpu.memref_slice %arg2[%dma_wait3A_58, %dma_wait3A_59] : memref<10000x128xf32, #tpu.memory_space<hbm>> -> memref<128x128xf32, #tpu.memory_space<hbm>>
    tpu.wait_dma2 semaphore(%arg18 : memref<!tpu.dma_semaphore, #tpu.memory_space<semaphore_mem>>) src(%dma_wait3A_60 : memref<128x128xf32, #tpu.memory_space<hbm>>) dst(%arg10 : memref<128x128xf32, #tpu.memory_space<vmem>>)
    %barrier3A_61 = arith.constant 0 : index
    tpu.barrier barrier_id(%barrier3A_61)
    %mul3A_62 = arith.constant 10112 : i32
    %mul3A_63 = arith.muli %arg0, %mul3A_62 : i32
    %add3A_64 = arith.addi %mul3A_63, %multiple_of3A : i32
    %multiple_of3A_65 = tpu.assume_multiple %add3A_64, 8 : i32
    "tpu.region"() ({
      %run_scoped3A = tpu.sem_alloc : memref<!tpu.dma_semaphore, #tpu.memory_space<semaphore_mem>>
      %dma_start3A_66 = arith.constant 0 : i32
      %dma_start3A_67 = tpu.memref_slice %arg6[%multiple_of3A_65, %dma_start3A_66] : memref<20224x128xf32, #tpu.memory_space<hbm>> -> memref<632x128xf32, #tpu.memory_space<hbm>>
      %dma_start3A_68 = arith.constant 0 : i32
      %dma_start3A_69 = tpu.memref_slice %arg12[%multiple_of3A, %dma_start3A_68] : memref<10112x128xf32, #tpu.memory_space<vmem_shared>> -> memref<632x128xf32, #tpu.memory_space<vmem_shared>>
      tpu.enqueue_dma source(%dma_start3A_69 : memref<632x128xf32, #tpu.memory_space<vmem_shared>>) target(%dma_start3A_67 : memref<632x128xf32, #tpu.memory_space<hbm>>) target_semaphore(%run_scoped3A : memref<!tpu.dma_semaphore, #tpu.memory_space<semaphore_mem>>)
      %dma_wait3A_70 = arith.constant 0 : i32
      %dma_wait3A_71 = tpu.memref_slice %arg6[%multiple_of3A_65, %dma_wait3A_70] : memref<20224x128xf32, #tpu.memory_space<hbm>> -> memref<632x128xf32, #tpu.memory_space<hbm>>
      %dma_wait3A_72 = arith.constant 0 : i32
      %dma_wait3A_73 = tpu.memref_slice %arg12[%multiple_of3A, %dma_wait3A_72] : memref<10112x128xf32, #tpu.memory_space<vmem_shared>> -> memref<632x128xf32, #tpu.memory_space<vmem_shared>>
      tpu.wait_dma2 semaphore(%run_scoped3A : memref<!tpu.dma_semaphore, #tpu.memory_space<semaphore_mem>>) src(%dma_wait3A_73 : memref<632x128xf32, #tpu.memory_space<vmem_shared>>) dst(%dma_wait3A_71 : memref<632x128xf32, #tpu.memory_space<hbm>>)
      tpu.yield
    }) : () -> ()
    return
  }
}

#map = affine_map<(d0, d1) -> (0, 0)>
module attributes {stable_mosaic.version = 14 : i64} {
  func.func @body(%arg0: i32, %arg1: i32, %arg2: memref<2560x128xi32, #tpu.memory_space<hbm>>, %arg3: memref<10112x128xf32, #tpu.memory_space<hbm>>, %arg4: memref<128x128xf32, #tpu.memory_space<hbm>>, %arg5: memref<20224x128xf32, #tpu.memory_space<hbm>>, %arg6: memref<80x128xi32, #tpu.memory_space<vmem>>, %arg7: memref<128x128xf32, #tpu.memory_space<vmem>>, %arg8: memref<10112x128xf32, #tpu.memory_space<vmem_shared>>) attributes {dimension_semantics = [#tpu.dimension_semantics<core_parallel>, #tpu.dimension_semantics<subcore_parallel>], iteration_bounds = array<i64: 2, 16>, scalar_prefetch = 0 : i64, scratch_operands = 3 : i64, tpu.core_type = #tpu.core_type<sc_vector_subcore>, window_params = [{transform_indices = #map}, {transform_indices = #map}, {transform_indices = #map}, {transform_indices = #map}]} {
    %mul3A = arith.constant 16 : i32
    %mul3A_0 = arith.muli %arg0, %mul3A : i32
    %add3A = arith.addi %mul3A_0, %arg1 : i32
    %mul3A_1 = arith.constant 632 : i32
    %mul3A_2 = arith.muli %arg1, %mul3A_1 : i32
    %multiple_of3A = tpu.assume_multiple %mul3A_2, 8 : i32
    %mul3A_3 = arith.constant 80 : i32
    %mul3A_4 = arith.muli %add3A, %mul3A_3 : i32
    %multiple_of3A_5 = tpu.assume_multiple %mul3A_4, 8 : i32
    "tpu.region"() ({
      %run_scoped3A = tpu.sem_alloc : memref<!tpu.dma_semaphore, #tpu.memory_space<semaphore_mem>>
      %dma_start3A = arith.constant 0 : i32
      %dma_start3A_16 = tpu.memref_slice %arg2[%multiple_of3A_5, %dma_start3A] : memref<2560x128xi32, #tpu.memory_space<hbm>> -> memref<80x128xi32, #tpu.memory_space<hbm>>
      %dma_start3A_17 = arith.constant 0 : i32
      %dma_start3A_18 = tpu.memref_slice %arg2[%multiple_of3A_5, %dma_start3A_17] : memref<2560x128xi32, #tpu.memory_space<hbm>> -> memref<80x128xi32, #tpu.memory_space<hbm>>
      tpu.enqueue_dma source(%dma_start3A_18 : memref<80x128xi32, #tpu.memory_space<hbm>>) target(%arg6 : memref<80x128xi32, #tpu.memory_space<vmem>>) target_semaphore(%run_scoped3A : memref<!tpu.dma_semaphore, #tpu.memory_space<semaphore_mem>>)
      %dma_wait3A = arith.constant 0 : i32
      %dma_wait3A_19 = tpu.memref_slice %arg2[%multiple_of3A_5, %dma_wait3A] : memref<2560x128xi32, #tpu.memory_space<hbm>> -> memref<80x128xi32, #tpu.memory_space<hbm>>
      %dma_wait3A_20 = arith.constant 0 : i32
      %dma_wait3A_21 = tpu.memref_slice %arg2[%multiple_of3A_5, %dma_wait3A_20] : memref<2560x128xi32, #tpu.memory_space<hbm>> -> memref<80x128xi32, #tpu.memory_space<hbm>>
      tpu.wait_dma2 semaphore(%run_scoped3A : memref<!tpu.dma_semaphore, #tpu.memory_space<semaphore_mem>>) src(%dma_wait3A_21 : memref<80x128xi32, #tpu.memory_space<hbm>>) dst(%arg6 : memref<80x128xi32, #tpu.memory_space<vmem>>)
      tpu.yield
    }) : () -> ()
    "tpu.region"() ({
      %run_scoped3A = tpu.sem_alloc : memref<!tpu.dma_semaphore, #tpu.memory_space<semaphore_mem>>
      %dma_start3A = arith.constant 0 : i32
      %dma_start3A_16 = tpu.memref_slice %arg8[%multiple_of3A, %dma_start3A] : memref<10112x128xf32, #tpu.memory_space<vmem_shared>> -> memref<632x128xf32, #tpu.memory_space<vmem_shared>>
      %dma_start3A_17 = arith.constant 0 : i32
      %dma_start3A_18 = tpu.memref_slice %arg3[%multiple_of3A, %dma_start3A_17] : memref<10112x128xf32, #tpu.memory_space<hbm>> -> memref<632x128xf32, #tpu.memory_space<hbm>>
      tpu.enqueue_dma source(%dma_start3A_18 : memref<632x128xf32, #tpu.memory_space<hbm>>) target(%dma_start3A_16 : memref<632x128xf32, #tpu.memory_space<vmem_shared>>) target_semaphore(%run_scoped3A : memref<!tpu.dma_semaphore, #tpu.memory_space<semaphore_mem>>)
      %dma_wait3A = arith.constant 0 : i32
      %dma_wait3A_19 = tpu.memref_slice %arg8[%multiple_of3A, %dma_wait3A] : memref<10112x128xf32, #tpu.memory_space<vmem_shared>> -> memref<632x128xf32, #tpu.memory_space<vmem_shared>>
      %dma_wait3A_20 = arith.constant 0 : i32
      %dma_wait3A_21 = tpu.memref_slice %arg3[%multiple_of3A, %dma_wait3A_20] : memref<10112x128xf32, #tpu.memory_space<hbm>> -> memref<632x128xf32, #tpu.memory_space<hbm>>
      tpu.wait_dma2 semaphore(%run_scoped3A : memref<!tpu.dma_semaphore, #tpu.memory_space<semaphore_mem>>) src(%dma_wait3A_21 : memref<632x128xf32, #tpu.memory_space<hbm>>) dst(%dma_wait3A_19 : memref<632x128xf32, #tpu.memory_space<vmem_shared>>)
      tpu.yield
    }) : () -> ()
    "tpu.region"() ({
      %run_scoped3A = tpu.sem_alloc : memref<!tpu.dma_semaphore, #tpu.memory_space<semaphore_mem>>
      tpu.enqueue_dma source(%arg4 : memref<128x128xf32, #tpu.memory_space<hbm>>) target(%arg7 : memref<128x128xf32, #tpu.memory_space<vmem>>) target_semaphore(%run_scoped3A : memref<!tpu.dma_semaphore, #tpu.memory_space<semaphore_mem>>)
      tpu.wait_dma2 semaphore(%run_scoped3A : memref<!tpu.dma_semaphore, #tpu.memory_space<semaphore_mem>>) src(%arg4 : memref<128x128xf32, #tpu.memory_space<hbm>>) dst(%arg7 : memref<128x128xf32, #tpu.memory_space<vmem>>)
      tpu.yield
    }) : () -> ()
    %barrier3A = arith.constant 0 : index
    tpu.barrier barrier_id(%barrier3A)
    %scan3A = arith.constant 0 : i32
    %scan3A_6 = arith.constant 0 : i32
    %scan3A_7 = arith.constant 80 : i32
    %scan3A_8 = arith.addi %scan3A_6, %scan3A_7 : i32
    %scan3A_9 = arith.constant 1 : i32
    scf.for %scan3A_16 = %scan3A_6 to %scan3A_8 step %scan3A_9  : i32 {
      "tpu.region"() ({
        %run_scoped3A = tpu.sem_alloc : memref<!tpu.dma_semaphore, #tpu.memory_space<semaphore_mem>>
        %dma_start3A = arith.constant 0 : i32
        %dma_start3A_17 = tpu.memref_slice %arg6[%scan3A_16, %dma_start3A] : memref<80x128xi32, #tpu.memory_space<vmem>> -> memref<1x128xi32, #tpu.memory_space<vmem>>
        %dma_start3A_18 = tpu.memref_squeeze %dma_start3A_17 : memref<1x128xi32, #tpu.memory_space<vmem>> -> memref<128xi32, #tpu.memory_space<vmem>>
        %dma_start3A_19 = arith.constant 0 : i32
        %dma_start3A_20 = arith.constant 0 : i32
        %dma_start3A_21 = tpu.memref_slice %arg8[%dma_start3A_19, %dma_start3A_20] : memref<10112x128xf32, #tpu.memory_space<vmem_shared>> -> memref<10112x128xf32, #tpu.memory_space<vmem_shared>>
        tpu.enqueue_indirect_dma source(%arg7 : memref<128x128xf32, #tpu.memory_space<vmem>>) target(%dma_start3A_21 : memref<10112x128xf32, #tpu.memory_space<vmem_shared>>) offsets(%dma_start3A_18 : memref<128xi32, #tpu.memory_space<vmem>>) semaphore(%run_scoped3A : memref<!tpu.dma_semaphore, #tpu.memory_space<semaphore_mem>>) {add = true}
        %dma_wait3A = arith.constant 0 : i32
        %dma_wait3A_22 = tpu.memref_slice %arg6[%scan3A_16, %dma_wait3A] : memref<80x128xi32, #tpu.memory_space<vmem>> -> memref<1x128xi32, #tpu.memory_space<vmem>>
        %dma_wait3A_23 = tpu.memref_squeeze %dma_wait3A_22 : memref<1x128xi32, #tpu.memory_space<vmem>> -> memref<128xi32, #tpu.memory_space<vmem>>
        %dma_wait3A_24 = arith.constant 0 : i32
        %dma_wait3A_25 = arith.constant 0 : i32
        %dma_wait3A_26 = tpu.memref_slice %arg8[%dma_wait3A_24, %dma_wait3A_25] : memref<10112x128xf32, #tpu.memory_space<vmem_shared>> -> memref<10112x128xf32, #tpu.memory_space<vmem_shared>>
        tpu.wait_indirect_dma semaphore(%run_scoped3A : memref<!tpu.dma_semaphore, #tpu.memory_space<semaphore_mem>>) src(%arg7 : memref<128x128xf32, #tpu.memory_space<vmem>>) dst(%dma_wait3A_26 : memref<10112x128xf32, #tpu.memory_space<vmem_shared>>)
        tpu.yield
      }) : () -> ()
    }
    %scan3A_10 = arith.constant 80 : i32
    %barrier3A_11 = arith.constant 0 : index
    tpu.barrier barrier_id(%barrier3A_11)
    %mul3A_12 = arith.constant 10112 : i32
    %mul3A_13 = arith.muli %arg0, %mul3A_12 : i32
    %add3A_14 = arith.addi %mul3A_13, %multiple_of3A : i32
    %multiple_of3A_15 = tpu.assume_multiple %add3A_14, 8 : i32
    "tpu.region"() ({
      %run_scoped3A = tpu.sem_alloc : memref<!tpu.dma_semaphore, #tpu.memory_space<semaphore_mem>>
      %dma_start3A = arith.constant 0 : i32
      %dma_start3A_16 = tpu.memref_slice %arg5[%multiple_of3A_15, %dma_start3A] : memref<20224x128xf32, #tpu.memory_space<hbm>> -> memref<632x128xf32, #tpu.memory_space<hbm>>
      %dma_start3A_17 = arith.constant 0 : i32
      %dma_start3A_18 = tpu.memref_slice %arg8[%multiple_of3A, %dma_start3A_17] : memref<10112x128xf32, #tpu.memory_space<vmem_shared>> -> memref<632x128xf32, #tpu.memory_space<vmem_shared>>
      tpu.enqueue_dma source(%dma_start3A_18 : memref<632x128xf32, #tpu.memory_space<vmem_shared>>) target(%dma_start3A_16 : memref<632x128xf32, #tpu.memory_space<hbm>>) target_semaphore(%run_scoped3A : memref<!tpu.dma_semaphore, #tpu.memory_space<semaphore_mem>>)
      %dma_wait3A = arith.constant 0 : i32
      %dma_wait3A_19 = tpu.memref_slice %arg5[%multiple_of3A_15, %dma_wait3A] : memref<20224x128xf32, #tpu.memory_space<hbm>> -> memref<632x128xf32, #tpu.memory_space<hbm>>
      %dma_wait3A_20 = arith.constant 0 : i32
      %dma_wait3A_21 = tpu.memref_slice %arg8[%multiple_of3A, %dma_wait3A_20] : memref<10112x128xf32, #tpu.memory_space<vmem_shared>> -> memref<632x128xf32, #tpu.memory_space<vmem_shared>>
      tpu.wait_dma2 semaphore(%run_scoped3A : memref<!tpu.dma_semaphore, #tpu.memory_space<semaphore_mem>>) src(%dma_wait3A_21 : memref<632x128xf32, #tpu.memory_space<vmem_shared>>) dst(%dma_wait3A_19 : memref<632x128xf32, #tpu.memory_space<hbm>>)
      tpu.yield
    }) : () -> ()
    return
  }
}

module attributes {stable_mosaic.version = 14 : i64} {
  func.func @_msg_kernel(%arg0: i32, %arg1: memref<2000x128xf32, #tpu.memory_space<vmem>>, %arg2: memref<128x128xf32, #tpu.memory_space<vmem>>, %arg3: memref<1x128xf32, #tpu.memory_space<vmem>>, %arg4: memref<2000x128xf32, #tpu.memory_space<vmem>>) attributes {dimension_semantics = [#tpu.dimension_semantics<arbitrary>], iteration_bounds = array<i64: 5>, scalar_prefetch = 0 : i64, scratch_operands = 0 : i64, tpu.core_type = #tpu.core_type<tc>, window_params = [{transform_indices = @transform_0, window_bounds = array<i64: 2000, 128>}, {pipeline_mode = #tpu.pipeline_mode<synchronous>, transform_indices = @transform_1, window_bounds = array<i64: 128, 128>}, {pipeline_mode = #tpu.pipeline_mode<synchronous>, transform_indices = @transform_2, window_bounds = array<i64: 1, 128>}, {transform_indices = @transform_3, window_bounds = array<i64: 2000, 128>}]} {
    %get3A = arith.constant 0 : index
    %get3A_0 = arith.constant 0 : index
    %get3A_1 = vector.load %arg1[%get3A, %get3A_0] : memref<2000x128xf32, #tpu.memory_space<vmem>>, vector<2000x128xf32>
    %get3A_2 = arith.constant 0 : index
    %get3A_3 = arith.constant 0 : index
    %get3A_4 = vector.load %arg2[%get3A_2, %get3A_3] : memref<128x128xf32, #tpu.memory_space<vmem>>, vector<128x128xf32>
    %dot_general3A = arith.constant dense<0.000000e+00> : vector<2000x128xf32>
    %dot_general3A_5 = tpu.matmul %get3A_1, %get3A_4, %dot_general3A {dimension_numbers = #tpu.dot_dimension_numbers<[1], [0], [0], [1], [0, 0, 1, 1], [], []>, precision = #tpu.contract_precision<fp32>, transpose_lhs_hint = false} : vector<2000x128xf32>, vector<128x128xf32>, vector<2000x128xf32> -> vector<2000x128xf32>
    %get3A_6 = arith.constant 0 : index
    %get3A_7 = arith.constant 0 : index
    %get3A_8 = vector.load %arg3[%get3A_6, %get3A_7] : memref<1x128xf32, #tpu.memory_space<vmem>>, vector<1x128xf32>
    %add3A = vector.broadcast %get3A_8 : vector<1x128xf32> to vector<2000x128xf32>
    %add3A_9 = arith.addf %dot_general3A_5, %add3A : vector<2000x128xf32>
    %max3A = arith.constant 0.000000e+00 : f32
    %max3A_10 = vector.broadcast %max3A : f32 to vector<2000x128xf32>
    %max3A_11 = arith.maximumf %add3A_9, %max3A_10 : vector<2000x128xf32>
    %swap3A = arith.constant 0 : index
    %swap3A_12 = arith.constant 0 : index
    %swap3A_13 = vector.load %arg4[%swap3A, %swap3A_12] : memref<2000x128xf32, #tpu.memory_space<vmem>>, vector<2000x128xf32>
    tpu.vector_store %arg4[%swap3A, %swap3A_12], %max3A_11 {strides = array<i32>} : memref<2000x128xf32, #tpu.memory_space<vmem>>, vector<2000x128xf32>,
    return
  }
  func.func @transform_0(%arg0: i32) -> (i32, i32) {
    %c0_i32 = arith.constant 0 : i32
    %c0_i32_0 = arith.constant 0 : i32
    return %arg0, %c0_i32 : i32, i32
  }
  func.func @transform_1(%arg0: i32) -> (i32, i32) {
    %c0_i32 = arith.constant 0 : i32
    %c0_i32_0 = arith.constant 0 : i32
    %c0_i32_1 = arith.constant 0 : i32
    return %c0_i32, %c0_i32_0 : i32, i32
  }
  func.func @transform_2(%arg0: i32) -> (i32, i32) {
    %c0_i32 = arith.constant 0 : i32
    %c0_i32_0 = arith.constant 0 : i32
    %c0_i32_1 = arith.constant 0 : i32
    return %c0_i32, %c0_i32_0 : i32, i32
  }
  func.func @transform_3(%arg0: i32) -> (i32, i32) {
    %c0_i32 = arith.constant 0 : i32
    %c0_i32_0 = arith.constant 0 : i32
    return %arg0, %c0_i32 : i32, i32
  }
}

module attributes {stable_mosaic.version = 14 : i64} {
  func.func @_mid_kernel(%arg0: i32, %arg1: memref<2000x128xf32, #tpu.memory_space<vmem>>, %arg2: memref<2000x128xf32, #tpu.memory_space<vmem>>, %arg3: memref<2000x1xf32, #tpu.memory_space<vmem>>, %arg4: memref<2000x1xf32, #tpu.memory_space<vmem>>, %arg5: memref<2000x128xf32, #tpu.memory_space<vmem>>, %arg6: memref<128x128xf32, #tpu.memory_space<vmem>>, %arg7: memref<128x128xf32, #tpu.memory_space<vmem>>, %arg8: memref<1x128xf32, #tpu.memory_space<vmem>>, %arg9: memref<128x128xf32, #tpu.memory_space<vmem>>, %arg10: memref<1x128xf32, #tpu.memory_space<vmem>>, %arg11: memref<2000x128xf32, #tpu.memory_space<vmem>>, %arg12: memref<2000x128xf32, #tpu.memory_space<vmem>>) attributes {dimension_semantics = [#tpu.dimension_semantics<arbitrary>], iteration_bounds = array<i64: 5>, scalar_prefetch = 0 : i64, scratch_operands = 0 : i64, tpu.core_type = #tpu.core_type<tc>, window_params = [{transform_indices = @transform_0, window_bounds = array<i64: 2000, 128>}, {transform_indices = @transform_1, window_bounds = array<i64: 2000, 128>}, {transform_indices = @transform_2, window_bounds = array<i64: 2000, 1>}, {transform_indices = @transform_3, window_bounds = array<i64: 2000, 1>}, {transform_indices = @transform_4, window_bounds = array<i64: 2000, 128>}, {pipeline_mode = #tpu.pipeline_mode<synchronous>, transform_indices = @transform_5, window_bounds = array<i64: 128, 128>}, {pipeline_mode = #tpu.pipeline_mode<synchronous>, transform_indices = @transform_6, window_bounds = array<i64: 128, 128>}, {pipeline_mode = #tpu.pipeline_mode<synchronous>, transform_indices = @transform_7, window_bounds = array<i64: 1, 128>}, {pipeline_mode = #tpu.pipeline_mode<synchronous>, transform_indices = @transform_8, window_bounds = array<i64: 128, 128>}, {pipeline_mode = #tpu.pipeline_mode<synchronous>, transform_indices = @transform_9, window_bounds = array<i64: 1, 128>}, {transform_indices = @transform_10, window_bounds = array<i64: 2000, 128>}, {transform_indices = @transform_11, window_bounds = array<i64: 2000, 128>}]} {
    %get3A = arith.constant 0 : index
    %get3A_0 = arith.constant 0 : index
    %get3A_1 = vector.load %arg3[%get3A, %get3A_0] : memref<2000x1xf32, #tpu.memory_space<vmem>>, vector<2000x1xf32>
    %get3A_2 = arith.constant 0 : index
    %get3A_3 = arith.constant 0 : index
    %get3A_4 = vector.load %arg4[%get3A_2, %get3A_3] : memref<2000x1xf32, #tpu.memory_space<vmem>>, vector<2000x1xf32>
    %add3A = arith.addf %get3A_1, %get3A_4 : vector<2000x1xf32>
    %get3A_5 = arith.constant 0 : index
    %get3A_6 = arith.constant 0 : index
    %get3A_7 = vector.load %arg1[%get3A_5, %get3A_6] : memref<2000x128xf32, #tpu.memory_space<vmem>>, vector<2000x128xf32>
    %get3A_8 = arith.constant 0 : index
    %get3A_9 = arith.constant 0 : index
    %get3A_10 = vector.load %arg2[%get3A_8, %get3A_9] : memref<2000x128xf32, #tpu.memory_space<vmem>>, vector<2000x128xf32>
    %add3A_11 = arith.addf %get3A_7, %get3A_10 : vector<2000x128xf32>
    %max3A = arith.constant 1.000000e+00 : f32
    %max3A_12 = vector.broadcast %max3A : f32 to vector<2000x1xf32>
    %max3A_13 = arith.maximumf %add3A, %max3A_12 : vector<2000x1xf32>
    %div3A = vector.broadcast %max3A_13 : vector<2000x1xf32> to vector<2000x128xf32>
    %div3A_14 = arith.divf %add3A_11, %div3A : vector<2000x128xf32>
    %get3A_15 = arith.constant 0 : index
    %get3A_16 = arith.constant 0 : index
    %get3A_17 = vector.load %arg6[%get3A_15, %get3A_16] : memref<128x128xf32, #tpu.memory_space<vmem>>, vector<128x128xf32>
    %dot_general3A = arith.constant dense<0.000000e+00> : vector<2000x128xf32>
    %dot_general3A_18 = tpu.matmul %div3A_14, %get3A_17, %dot_general3A {dimension_numbers = #tpu.dot_dimension_numbers<[1], [0], [0], [1], [0, 0, 1, 1], [], []>, precision = #tpu.contract_precision<fp32>, transpose_lhs_hint = false} : vector<2000x128xf32>, vector<128x128xf32>, vector<2000x128xf32> -> vector<2000x128xf32>
    %get3A_19 = arith.constant 0 : index
    %get3A_20 = arith.constant 0 : index
    %get3A_21 = vector.load %arg5[%get3A_19, %get3A_20] : memref<2000x128xf32, #tpu.memory_space<vmem>>, vector<2000x128xf32>
    %get3A_22 = arith.constant 0 : index
    %get3A_23 = arith.constant 0 : index
    %get3A_24 = vector.load %arg7[%get3A_22, %get3A_23] : memref<128x128xf32, #tpu.memory_space<vmem>>, vector<128x128xf32>
    %dot_general3A_25 = arith.constant dense<0.000000e+00> : vector<2000x128xf32>
    %dot_general3A_26 = tpu.matmul %get3A_21, %get3A_24, %dot_general3A_25 {dimension_numbers = #tpu.dot_dimension_numbers<[1], [0], [0], [1], [0, 0, 1, 1], [], []>, precision = #tpu.contract_precision<fp32>, transpose_lhs_hint = false} : vector<2000x128xf32>, vector<128x128xf32>, vector<2000x128xf32> -> vector<2000x128xf32>
    %add3A_27 = arith.addf %dot_general3A_18, %dot_general3A_26 : vector<2000x128xf32>
    %get3A_28 = arith.constant 0 : index
    %get3A_29 = arith.constant 0 : index
    %get3A_30 = vector.load %arg8[%get3A_28, %get3A_29] : memref<1x128xf32, #tpu.memory_space<vmem>>, vector<1x128xf32>
    %add3A_31 = vector.broadcast %get3A_30 : vector<1x128xf32> to vector<2000x128xf32>
    %add3A_32 = arith.addf %add3A_27, %add3A_31 : vector<2000x128xf32>
    %max3A_33 = arith.constant 0.000000e+00 : f32
    %max3A_34 = vector.broadcast %max3A_33 : f32 to vector<2000x128xf32>
    %max3A_35 = arith.maximumf %add3A_32, %max3A_34 : vector<2000x128xf32>
    %mul3A = arith.mulf %max3A_35, %max3A_35 : vector<2000x128xf32>
    %reduce_sum3A = arith.constant dense<0.000000e+00> : vector<2000xf32>
    %reduce_sum3A_36 = vector.multi_reduction <add>, %mul3A, %reduce_sum3A [1] : vector<2000x128xf32> to vector<2000xf32>
    %broadcast_in_dim3A = vector.shape_cast %reduce_sum3A_36 : vector<2000xf32> to vector<2000x1xf32>
    %sqrt3A = math.sqrt %broadcast_in_dim3A : vector<2000x1xf32>
    %max3A_37 = arith.constant 9.99999996E-13 : f32
    %max3A_38 = vector.broadcast %max3A_37 : f32 to vector<2000x1xf32>
    %max3A_39 = arith.maximumf %sqrt3A, %max3A_38 : vector<2000x1xf32>
    %div3A_40 = vector.broadcast %max3A_39 : vector<2000x1xf32> to vector<2000x128xf32>
    %div3A_41 = arith.divf %max3A_35, %div3A_40 : vector<2000x128xf32>
    %swap3A = arith.constant 0 : index
    %swap3A_42 = arith.constant 0 : index
    %swap3A_43 = vector.load %arg11[%swap3A, %swap3A_42] : memref<2000x128xf32, #tpu.memory_space<vmem>>, vector<2000x128xf32>
    tpu.vector_store %arg11[%swap3A, %swap3A_42], %div3A_41 {strides = array<i32>} : memref<2000x128xf32, #tpu.memory_space<vmem>>, vector<2000x128xf32>,
    %get3A_44 = arith.constant 0 : index
    %get3A_45 = arith.constant 0 : index
    %get3A_46 = vector.load %arg9[%get3A_44, %get3A_45] : memref<128x128xf32, #tpu.memory_space<vmem>>, vector<128x128xf32>
    %dot_general3A_47 = arith.constant dense<0.000000e+00> : vector<2000x128xf32>
    %dot_general3A_48 = tpu.matmul %div3A_41, %get3A_46, %dot_general3A_47 {dimension_numbers = #tpu.dot_dimension_numbers<[1], [0], [0], [1], [0, 0, 1, 1], [], []>, precision = #tpu.contract_precision<fp32>, transpose_lhs_hint = false} : vector<2000x128xf32>, vector<128x128xf32>, vector<2000x128xf32> -> vector<2000x128xf32>
    %get3A_49 = arith.constant 0 : index
    %get3A_50 = arith.constant 0 : index
    %get3A_51 = vector.load %arg10[%get3A_49, %get3A_50] : memref<1x128xf32, #tpu.memory_space<vmem>>, vector<1x128xf32>
    %add3A_52 = vector.broadcast %get3A_51 : vector<1x128xf32> to vector<2000x128xf32>
    %add3A_53 = arith.addf %dot_general3A_48, %add3A_52 : vector<2000x128xf32>
    %max3A_54 = arith.constant 0.000000e+00 : f32
    %max3A_55 = vector.broadcast %max3A_54 : f32 to vector<2000x128xf32>
    %max3A_56 = arith.maximumf %add3A_53, %max3A_55 : vector<2000x128xf32>
    %swap3A_57 = arith.constant 0 : index
    %swap3A_58 = arith.constant 0 : index
    %swap3A_59 = vector.load %arg12[%swap3A_57, %swap3A_58] : memref<2000x128xf32, #tpu.memory_space<vmem>>, vector<2000x128xf32>
    tpu.vector_store %arg12[%swap3A_57, %swap3A_58], %max3A_56 {strides = array<i32>} : memref<2000x128xf32, #tpu.memory_space<vmem>>, vector<2000x128xf32>,
    return
  }
  func.func @transform_0(%arg0: i32) -> (i32, i32) {
    %c0_i32 = arith.constant 0 : i32
    %c0_i32_0 = arith.constant 0 : i32
    return %arg0, %c0_i32 : i32, i32
  }
  func.func @transform_1(%arg0: i32) -> (i32, i32) {
    %c0_i32 = arith.constant 0 : i32
    %c0_i32_0 = arith.constant 0 : i32
    return %arg0, %c0_i32 : i32, i32
  }
  func.func @transform_2(%arg0: i32) -> (i32, i32) {
    %c0_i32 = arith.constant 0 : i32
    %c0_i32_0 = arith.constant 0 : i32
    return %arg0, %c0_i32 : i32, i32
  }
  func.func @transform_3(%arg0: i32) -> (i32, i32) {
    %c0_i32 = arith.constant 0 : i32
    %c0_i32_0 = arith.constant 0 : i32
    return %arg0, %c0_i32 : i32, i32
  }
  func.func @transform_4(%arg0: i32) -> (i32, i32) {
    %c0_i32 = arith.constant 0 : i32
    %c0_i32_0 = arith.constant 0 : i32
    return %arg0, %c0_i32 : i32, i32
  }
  func.func @transform_5(%arg0: i32) -> (i32, i32) {
    %c0_i32 = arith.constant 0 : i32
    %c0_i32_0 = arith.constant 0 : i32
    %c0_i32_1 = arith.constant 0 : i32
    return %c0_i32, %c0_i32_0 : i32, i32
  }
  func.func @transform_6(%arg0: i32) -> (i32, i32) {
    %c0_i32 = arith.constant 0 : i32
    %c0_i32_0 = arith.constant 0 : i32
    %c0_i32_1 = arith.constant 0 : i32
    return %c0_i32, %c0_i32_0 : i32, i32
  }
  func.func @transform_7(%arg0: i32) -> (i32, i32) {
    %c0_i32 = arith.constant 0 : i32
    %c0_i32_0 = arith.constant 0 : i32
    %c0_i32_1 = arith.constant 0 : i32
    return %c0_i32, %c0_i32_0 : i32, i32
  }
  func.func @transform_8(%arg0: i32) -> (i32, i32) {
    %c0_i32 = arith.constant 0 : i32
    %c0_i32_0 = arith.constant 0 : i32
    %c0_i32_1 = arith.constant 0 : i32
    return %c0_i32, %c0_i32_0 : i32, i32
  }
  func.func @transform_9(%arg0: i32) -> (i32, i32) {
    %c0_i32 = arith.constant 0 : i32
    %c0_i32_0 = arith.constant 0 : i32
    %c0_i32_1 = arith.constant 0 : i32
    return %c0_i32, %c0_i32_0 : i32, i32
  }
  func.func @transform_10(%arg0: i32) -> (i32, i32) {
    %c0_i32 = arith.constant 0 : i32
    %c0_i32_0 = arith.constant 0 : i32
    return %arg0, %c0_i32 : i32, i32
  }
  func.func @transform_11(%arg0: i32) -> (i32, i32) {
    %c0_i32 = arith.constant 0 : i32
    %c0_i32_0 = arith.constant 0 : i32
    return %arg0, %c0_i32 : i32, i32
  }
}

module attributes {stable_mosaic.version = 14 : i64} {
  func.func @_fin_kernel(%arg0: i32, %arg1: memref<2000x128xf32, #tpu.memory_space<vmem>>, %arg2: memref<2000x128xf32, #tpu.memory_space<vmem>>, %arg3: memref<2000x1xf32, #tpu.memory_space<vmem>>, %arg4: memref<2000x1xf32, #tpu.memory_space<vmem>>, %arg5: memref<2000x128xf32, #tpu.memory_space<vmem>>, %arg6: memref<128x128xf32, #tpu.memory_space<vmem>>, %arg7: memref<128x128xf32, #tpu.memory_space<vmem>>, %arg8: memref<1x128xf32, #tpu.memory_space<vmem>>, %arg9: memref<128x128xf32, #tpu.memory_space<vmem>>, %arg10: memref<1x128xf32, #tpu.memory_space<vmem>>, %arg11: memref<128x128xf32, #tpu.memory_space<vmem>>, %arg12: memref<1x128xf32, #tpu.memory_space<vmem>>, %arg13: memref<2000x128xf32, #tpu.memory_space<vmem>>) attributes {dimension_semantics = [#tpu.dimension_semantics<arbitrary>], iteration_bounds = array<i64: 5>, scalar_prefetch = 0 : i64, scratch_operands = 0 : i64, tpu.core_type = #tpu.core_type<tc>, window_params = [{transform_indices = @transform_0, window_bounds = array<i64: 2000, 128>}, {transform_indices = @transform_1, window_bounds = array<i64: 2000, 128>}, {transform_indices = @transform_2, window_bounds = array<i64: 2000, 1>}, {transform_indices = @transform_3, window_bounds = array<i64: 2000, 1>}, {transform_indices = @transform_4, window_bounds = array<i64: 2000, 128>}, {pipeline_mode = #tpu.pipeline_mode<synchronous>, transform_indices = @transform_5, window_bounds = array<i64: 128, 128>}, {pipeline_mode = #tpu.pipeline_mode<synchronous>, transform_indices = @transform_6, window_bounds = array<i64: 128, 128>}, {pipeline_mode = #tpu.pipeline_mode<synchronous>, transform_indices = @transform_7, window_bounds = array<i64: 1, 128>}, {pipeline_mode = #tpu.pipeline_mode<synchronous>, transform_indices = @transform_8, window_bounds = array<i64: 128, 128>}, {pipeline_mode = #tpu.pipeline_mode<synchronous>, transform_indices = @transform_9, window_bounds = array<i64: 1, 128>}, {pipeline_mode = #tpu.pipeline_mode<synchronous>, transform_indices = @transform_10, window_bounds = array<i64: 128, 128>}, {pipeline_mode = #tpu.pipeline_mode<synchronous>, transform_indices = @transform_11, window_bounds = array<i64: 1, 128>}, {transform_indices = @transform_12, window_bounds = array<i64: 2000, 128>}]} {
    %get3A = arith.constant 0 : index
    %get3A_0 = arith.constant 0 : index
    %get3A_1 = vector.load %arg3[%get3A, %get3A_0] : memref<2000x1xf32, #tpu.memory_space<vmem>>, vector<2000x1xf32>
    %get3A_2 = arith.constant 0 : index
    %get3A_3 = arith.constant 0 : index
    %get3A_4 = vector.load %arg4[%get3A_2, %get3A_3] : memref<2000x1xf32, #tpu.memory_space<vmem>>, vector<2000x1xf32>
    %add3A = arith.addf %get3A_1, %get3A_4 : vector<2000x1xf32>
    %get3A_5 = arith.constant 0 : index
    %get3A_6 = arith.constant 0 : index
    %get3A_7 = vector.load %arg1[%get3A_5, %get3A_6] : memref<2000x128xf32, #tpu.memory_space<vmem>>, vector<2000x128xf32>
    %get3A_8 = arith.constant 0 : index
    %get3A_9 = arith.constant 0 : index
    %get3A_10 = vector.load %arg2[%get3A_8, %get3A_9] : memref<2000x128xf32, #tpu.memory_space<vmem>>, vector<2000x128xf32>
    %add3A_11 = arith.addf %get3A_7, %get3A_10 : vector<2000x128xf32>
    %max3A = arith.constant 1.000000e+00 : f32
    %max3A_12 = vector.broadcast %max3A : f32 to vector<2000x1xf32>
    %max3A_13 = arith.maximumf %add3A, %max3A_12 : vector<2000x1xf32>
    %div3A = vector.broadcast %max3A_13 : vector<2000x1xf32> to vector<2000x128xf32>
    %div3A_14 = arith.divf %add3A_11, %div3A : vector<2000x128xf32>
    %get3A_15 = arith.constant 0 : index
    %get3A_16 = arith.constant 0 : index
    %get3A_17 = vector.load %arg6[%get3A_15, %get3A_16] : memref<128x128xf32, #tpu.memory_space<vmem>>, vector<128x128xf32>
    %dot_general3A = arith.constant dense<0.000000e+00> : vector<2000x128xf32>
    %dot_general3A_18 = tpu.matmul %div3A_14, %get3A_17, %dot_general3A {dimension_numbers = #tpu.dot_dimension_numbers<[1], [0], [0], [1], [0, 0, 1, 1], [], []>, precision = #tpu.contract_precision<fp32>, transpose_lhs_hint = false} : vector<2000x128xf32>, vector<128x128xf32>, vector<2000x128xf32> -> vector<2000x128xf32>
    %get3A_19 = arith.constant 0 : index
    %get3A_20 = arith.constant 0 : index
    %get3A_21 = vector.load %arg5[%get3A_19, %get3A_20] : memref<2000x128xf32, #tpu.memory_space<vmem>>, vector<2000x128xf32>
    %get3A_22 = arith.constant 0 : index
    %get3A_23 = arith.constant 0 : index
    %get3A_24 = vector.load %arg7[%get3A_22, %get3A_23] : memref<128x128xf32, #tpu.memory_space<vmem>>, vector<128x128xf32>
    %dot_general3A_25 = arith.constant dense<0.000000e+00> : vector<2000x128xf32>
    %dot_general3A_26 = tpu.matmul %get3A_21, %get3A_24, %dot_general3A_25 {dimension_numbers = #tpu.dot_dimension_numbers<[1], [0], [0], [1], [0, 0, 1, 1], [], []>, precision = #tpu.contract_precision<fp32>, transpose_lhs_hint = false} : vector<2000x128xf32>, vector<128x128xf32>, vector<2000x128xf32> -> vector<2000x128xf32>
    %add3A_27 = arith.addf %dot_general3A_18, %dot_general3A_26 : vector<2000x128xf32>
    %get3A_28 = arith.constant 0 : index
    %get3A_29 = arith.constant 0 : index
    %get3A_30 = vector.load %arg8[%get3A_28, %get3A_29] : memref<1x128xf32, #tpu.memory_space<vmem>>, vector<1x128xf32>
    %add3A_31 = vector.broadcast %get3A_30 : vector<1x128xf32> to vector<2000x128xf32>
    %add3A_32 = arith.addf %add3A_27, %add3A_31 : vector<2000x128xf32>
    %max3A_33 = arith.constant 0.000000e+00 : f32
    %max3A_34 = vector.broadcast %max3A_33 : f32 to vector<2000x128xf32>
    %max3A_35 = arith.maximumf %add3A_32, %max3A_34 : vector<2000x128xf32>
    %mul3A = arith.mulf %max3A_35, %max3A_35 : vector<2000x128xf32>
    %reduce_sum3A = arith.constant dense<0.000000e+00> : vector<2000xf32>
    %reduce_sum3A_36 = vector.multi_reduction <add>, %mul3A, %reduce_sum3A [1] : vector<2000x128xf32> to vector<2000xf32>
    %broadcast_in_dim3A = vector.shape_cast %reduce_sum3A_36 : vector<2000xf32> to vector<2000x1xf32>
    %sqrt3A = math.sqrt %broadcast_in_dim3A : vector<2000x1xf32>
    %max3A_37 = arith.constant 9.99999996E-13 : f32
    %max3A_38 = vector.broadcast %max3A_37 : f32 to vector<2000x1xf32>
    %max3A_39 = arith.maximumf %sqrt3A, %max3A_38 : vector<2000x1xf32>
    %div3A_40 = vector.broadcast %max3A_39 : vector<2000x1xf32> to vector<2000x128xf32>
    %div3A_41 = arith.divf %max3A_35, %div3A_40 : vector<2000x128xf32>
    %get3A_42 = arith.constant 0 : index
    %get3A_43 = arith.constant 0 : index
    %get3A_44 = vector.load %arg9[%get3A_42, %get3A_43] : memref<128x128xf32, #tpu.memory_space<vmem>>, vector<128x128xf32>
    %dot_general3A_45 = arith.constant dense<0.000000e+00> : vector<2000x128xf32>
    %dot_general3A_46 = tpu.matmul %div3A_41, %get3A_44, %dot_general3A_45 {dimension_numbers = #tpu.dot_dimension_numbers<[1], [0], [0], [1], [0, 0, 1, 1], [], []>, precision = #tpu.contract_precision<fp32>, transpose_lhs_hint = false} : vector<2000x128xf32>, vector<128x128xf32>, vector<2000x128xf32> -> vector<2000x128xf32>
    %get3A_47 = arith.constant 0 : index
    %get3A_48 = arith.constant 0 : index
    %get3A_49 = vector.load %arg10[%get3A_47, %get3A_48] : memref<1x128xf32, #tpu.memory_space<vmem>>, vector<1x128xf32>
    %add3A_50 = vector.broadcast %get3A_49 : vector<1x128xf32> to vector<2000x128xf32>
    %add3A_51 = arith.addf %dot_general3A_46, %add3A_50 : vector<2000x128xf32>
    %get3A_52 = arith.constant 0 : index
    %get3A_53 = arith.constant 0 : index
    %get3A_54 = vector.load %arg11[%get3A_52, %get3A_53] : memref<128x128xf32, #tpu.memory_space<vmem>>, vector<128x128xf32>
    %dot_general3A_55 = arith.constant dense<0.000000e+00> : vector<2000x128xf32>
    %dot_general3A_56 = tpu.matmul %add3A_51, %get3A_54, %dot_general3A_55 {dimension_numbers = #tpu.dot_dimension_numbers<[1], [0], [0], [1], [0, 0, 1, 1], [], []>, precision = #tpu.contract_precision<fp32>, transpose_lhs_hint = false} : vector<2000x128xf32>, vector<128x128xf32>, vector<2000x128xf32> -> vector<2000x128xf32>
    %get3A_57 = arith.constant 0 : index
    %get3A_58 = arith.constant 0 : index
    %get3A_59 = vector.load %arg12[%get3A_57, %get3A_58] : memref<1x128xf32, #tpu.memory_space<vmem>>, vector<1x128xf32>
    %add3A_60 = vector.broadcast %get3A_59 : vector<1x128xf32> to vector<2000x128xf32>
    %add3A_61 = arith.addf %dot_general3A_56, %add3A_60 : vector<2000x128xf32>
    %reduce_max3A = arith.constant dense<0xFF800000> : vector<2000xf32>
    %reduce_max3A_62 = vector.multi_reduction <maximumf>, %add3A_61, %reduce_max3A [1] : vector<2000x128xf32> to vector<2000xf32>
    %broadcast_in_dim3A_63 = vector.shape_cast %reduce_max3A_62 : vector<2000xf32> to vector<2000x1xf32>
    %sub3A = vector.broadcast %broadcast_in_dim3A_63 : vector<2000x1xf32> to vector<2000x128xf32>
    %sub3A_64 = arith.subf %add3A_61, %sub3A : vector<2000x128xf32>
    %exp3A = math.exp %sub3A_64 : vector<2000x128xf32>
    %reduce_sum3A_65 = arith.constant dense<0.000000e+00> : vector<2000xf32>
    %reduce_sum3A_66 = vector.multi_reduction <add>, %exp3A, %reduce_sum3A_65 [1] : vector<2000x128xf32> to vector<2000xf32>
    %broadcast_in_dim3A_67 = vector.shape_cast %reduce_sum3A_66 : vector<2000xf32> to vector<2000x1xf32>
    %log3A = math.log %broadcast_in_dim3A_67 : vector<2000x1xf32>
    %sub3A_68 = vector.broadcast %log3A : vector<2000x1xf32> to vector<2000x128xf32>
    %sub3A_69 = arith.subf %sub3A_64, %sub3A_68 : vector<2000x128xf32>
    %swap3A = arith.constant 0 : index
    %swap3A_70 = arith.constant 0 : index
    %swap3A_71 = vector.load %arg13[%swap3A, %swap3A_70] : memref<2000x128xf32, #tpu.memory_space<vmem>>, vector<2000x128xf32>
    tpu.vector_store %arg13[%swap3A, %swap3A_70], %sub3A_69 {strides = array<i32>} : memref<2000x128xf32, #tpu.memory_space<vmem>>, vector<2000x128xf32>,
    return
  }
  func.func @transform_0(%arg0: i32) -> (i32, i32) {
    %c0_i32 = arith.constant 0 : i32
    %c0_i32_0 = arith.constant 0 : i32
    return %arg0, %c0_i32 : i32, i32
  }
  func.func @transform_1(%arg0: i32) -> (i32, i32) {
    %c0_i32 = arith.constant 0 : i32
    %c0_i32_0 = arith.constant 0 : i32
    return %arg0, %c0_i32 : i32, i32
  }
  func.func @transform_2(%arg0: i32) -> (i32, i32) {
    %c0_i32 = arith.constant 0 : i32
    %c0_i32_0 = arith.constant 0 : i32
    return %arg0, %c0_i32 : i32, i32
  }
  func.func @transform_3(%arg0: i32) -> (i32, i32) {
    %c0_i32 = arith.constant 0 : i32
    %c0_i32_0 = arith.constant 0 : i32
    return %arg0, %c0_i32 : i32, i32
  }
  func.func @transform_4(%arg0: i32) -> (i32, i32) {
    %c0_i32 = arith.constant 0 : i32
    %c0_i32_0 = arith.constant 0 : i32
    return %arg0, %c0_i32 : i32, i32
  }
  func.func @transform_5(%arg0: i32) -> (i32, i32) {
    %c0_i32 = arith.constant 0 : i32
    %c0_i32_0 = arith.constant 0 : i32
    %c0_i32_1 = arith.constant 0 : i32
    return %c0_i32, %c0_i32_0 : i32, i32
  }
  func.func @transform_6(%arg0: i32) -> (i32, i32) {
    %c0_i32 = arith.constant 0 : i32
    %c0_i32_0 = arith.constant 0 : i32
    %c0_i32_1 = arith.constant 0 : i32
    return %c0_i32, %c0_i32_0 : i32, i32
  }
  func.func @transform_7(%arg0: i32) -> (i32, i32) {
    %c0_i32 = arith.constant 0 : i32
    %c0_i32_0 = arith.constant 0 : i32
    %c0_i32_1 = arith.constant 0 : i32
    return %c0_i32, %c0_i32_0 : i32, i32
  }
  func.func @transform_8(%arg0: i32) -> (i32, i32) {
    %c0_i32 = arith.constant 0 : i32
    %c0_i32_0 = arith.constant 0 : i32
    %c0_i32_1 = arith.constant 0 : i32
    return %c0_i32, %c0_i32_0 : i32, i32
  }
  func.func @transform_9(%arg0: i32) -> (i32, i32) {
    %c0_i32 = arith.constant 0 : i32
    %c0_i32_0 = arith.constant 0 : i32
    %c0_i32_1 = arith.constant 0 : i32
    return %c0_i32, %c0_i32_0 : i32, i32
  }
  func.func @transform_10(%arg0: i32) -> (i32, i32) {
    %c0_i32 = arith.constant 0 : i32
    %c0_i32_0 = arith.constant 0 : i32
    %c0_i32_1 = arith.constant 0 : i32
    return %c0_i32, %c0_i32_0 : i32, i32
  }
  func.func @transform_11(%arg0: i32) -> (i32, i32) {
    %c0_i32 = arith.constant 0 : i32
    %c0_i32_0 = arith.constant 0 : i32
    %c0_i32_1 = arith.constant 0 : i32
    return %c0_i32, %c0_i32_0 : i32, i32
  }
  func.func @transform_12(%arg0: i32) -> (i32, i32) {
    %c0_i32 = arith.constant 0 : i32
    %c0_i32_0 = arith.constant 0 : i32
    return %arg0, %c0_i32 : i32, i32
  }
}

</mosaic_0001>

<sc_bundles>
// kernel: kernel.11.cloned.1.call-start
scs
__scs_entry_jumppad:
0x0: {  	(pc) =	sbr.rel $0x88, $3  }
0x1: {  	(tag) =	ssettag $0x0;
	lr =	simm.s32 $0x1  }
0x2: {  	[smem:$0x3F93] =	sst lr;
	_ =	strace $0xD0000000  }
0x3: {  	_ = 	snop  }
0x4: {  	_ = 	snop  }
0x5: {  	_ = 	snop  }
0x6: {  	_ = 	snop  }
0x7: {  	_ = 	snop  }
__scs_overlays_trampoline_lowered:
0x8: {  	[smem:$0x3FA2] =	sst s0  }
0x9: {  	[smem:$0x3FA3] =	sst s1  }
0xa: {  	[smem:$0x3FA4] =	sst s2  }
0xb: {  	[smem:$0x3FA5] =	sst s3  }
0xc: {  	[smem:$0x3FA6] =	sst s4  }
0xd: {  	[smem:$0x3FA7] =	sst s5  }
0xe: {  	[smem:$0x3FA8] =	sst s6  }
0xf: {  	[smem:$0x3FA9] =	sst s7  }
0x10: {  	[smem:$0x3FAA] =	sst s8  }
0x11: {  	[smem:$0x3FAB] =	sst s9;
	s0 =	simm.s32 @!p0 $0x0  }
0x12: {  	s1 =	sld [smem:$0x3F91];
	s0 =	simm.s32 @p0 $0x1  }
0x13: {  	[smem:$0x3FAC] =	sst s0;
	s0 =	simm.s32 @!p1 $0x0  }
0x14: {  	s2 =	sld [smem:$0x3F90];
	s0 =	simm.s32 @p1 $0x1  }
0x15: {  	[smem:$0x3FAD] =	sst s0;
	s0 =	simm.s32 @!p2 $0x0  }
0x16: {  	s3 =	sld [smem:$0x3FDB];
	s0 =	simm.s32 @p2 $0x1  }
0x17: {  	s4 =	simm.s32 $0x1BF5;
	[smem:$0x3FAF] =	sst s0  }
0x18: {  	s0 =	sld [smem:$0x3F92];
	_ =	swait.ge [sflag:s4], $0x0  }
0x19: {  	s7 =	sld [smem:$0x3F93]  }
0x1a: {  	s8 =	sadd.s32 $0xFFFFE003, lr  }
0x1b: {  	s9 =	sadd.s32 $0xFFFFFEF7, lr;
	s5 =	simm.s32 $0xFFFFFFFF;
	p2 =	slt.u32 s8, $0xFFFFF086  }
0x1c: {  	p1 =	slt.u32 s9, $0xF7A;
	s5 =	simm.s32 @!p2 $0x0  }
0x1d: {  	s5 =	simm.s32 @p1 $0x1;
	p0 =	seq.s32 s7, s2  }
0x1e: {  	s7 =	smul.u32 @!p0 $0xF7A, s2;
	p2 =	seq.s32 @!p0 s5, $0x0  }
0x1f: {  	s9 =	smul.u32 $0xF7A, s1;
	s8 =	simm.s32 @!p0 $0x1BF5;
	p2 =	por !p2, p0  }
0x20: {  	[sflag:s8] =	ssyncset.s32 @!p0 $0xFFFFF086;
	s6 =	sadd.s32 @!p0 s3, s7;
	s7 =	simm.s32 @!p0 $0x108  }
0x21: {  	s3 =	sadd.s32 s3, s9;
	s6 =	sadd.s32 @!p0 $0x88, s6;
	s7 =	simm.s32 @p2 $0x1082  }
0x22: {  	[simem:s7], [sflag:s8] =	dma.local @!p0 [hbm:s6], $0xF7A  }
0x23: {  	s9 =	sor.u32 $0xD0000000, s2;
	s6 =	simm.s32 $0x108;
	_ =	swait.ge @!p0 [sflag:s8], $0x0  }
0x24: {  	s3 =	sadd.s32 $0x88, s3;
	s6 =	simm.s32 @!p1 $0x1082;
	[sflag:s4] =	ssyncset.s32 $0xFFFFF086  }
0x25: {  	[simem:s6], [sflag:s4] =	dma.local [hbm:s3], $0xF7A  }
0x26: {  	[smem:$0x3F93] =	sst s1;
	(tag) =	ssettag s2;
	_ =	strace s9  }
0x27: {  	s1 =	sld [smem:$0x3FA3]  }
0x28: {  	s2 =	sld [smem:$0x3FA4]  }
0x29: {  	s4 =	sld [smem:$0x3FA6]  }
0x2a: {  	p0 =	seq.s32 s5, $0x0;
	s5 =	sld [smem:$0x3FA7]  }
0x2b: {  	s6 =	sld [smem:$0x3FA8]  }
0x2c: {  	s7 =	sld [smem:$0x3FA9]  }
0x2d: {  	s3 =	simm.s32 $0x108;
	s8 =	sld [smem:$0x3FAA]  }
0x2e: {  	s3 =	simm.s32 @!p0 $0x1082;
	s9 =	sld [smem:$0x3FAB]  }
0x2f: {  	lr =	sadd.s32 s0, s3;
	s0 =	sld [smem:$0x3FA2]  }
0x30: {  	s3 =	sld [smem:$0x3FA5]  }
0x31: {  	[smem:$0x3FAE] =	sst s10  }
0x32: {  	s10 =	sld [smem:$0x3FAC];
	_ =	sdelay $0x3  }
0x33: {  	p0 =	seq.s32 s10, $0x1;
	s10 =	sld [smem:$0x3FAE];
	_ =	sdelay $0x3  }
0x34: {  	[smem:$0x3FAE] =	sst s10  }
0x35: {  	s10 =	sld [smem:$0x3FAD];
	_ =	sdelay $0x3  }
0x36: {  	p1 =	seq.s32 s10, $0x1;
	s10 =	sld [smem:$0x3FAE];
	_ =	sdelay $0x3  }
0x37: {  	[smem:$0x3FAE] =	sst s10  }
0x38: {  	s10 =	sld [smem:$0x3FAF]  }
0x39: {  	_ = 	snop;
	(pc) =	sbr.ind lr, $3  }
0x3a: {  	_ = 	snop  }
0x3b: {  	_ = 	snop  }
0x3c: {  	p2 =	seq.s32 s10, $0x1;
	s10 =	sld [smem:$0x3FAE]  }
0x3d: {  	_ =	shalt  }
0x3e: {  	_ =	shalt  }
0x3f: {  	_ =	shalt  }
0x40: {  	_ =	shalt  }
0x41: {  	_ =	shalt  }
0x42: {  	_ =	shalt  }
0x43: {  	_ =	shalt  }
0x44: {  	_ =	shalt  }
0x45: {  	_ =	shalt  }
0x46: {  	_ =	shalt  }
0x47: {  	_ =	shalt  }
0x48: {  	_ =	shalt  }
0x49: {  	_ =	shalt  }
0x4a: {  	_ =	shalt  }
0x4b: {  	_ =	shalt  }
0x4c: {  	_ =	shalt  }
0x4d: {  	_ =	shalt  }
0x4e: {  	_ =	shalt  }
0x4f: {  	_ =	shalt  }
0x50: {  	_ =	shalt  }
0x51: {  	_ =	shalt  }
0x52: {  	_ =	shalt  }
0x53: {  	_ =	shalt  }
0x54: {  	_ =	shalt  }
0x55: {  	_ =	shalt  }
0x56: {  	_ =	shalt  }
0x57: {  	_ =	shalt  }
0x58: {  	_ =	shalt  }
0x59: {  	_ =	shalt  }
0x5a: {  	_ =	shalt  }
0x5b: {  	_ =	shalt  }
0x5c: {  	_ =	shalt  }
0x5d: {  	_ =	shalt  }
0x5e: {  	_ =	shalt  }
0x5f: {  	_ =	shalt  }
0x60: {  	_ =	shalt  }
0x61: {  	_ =	shalt  }
0x62: {  	_ =	shalt  }
0x63: {  	_ =	shalt  }
0x64: {  	_ =	shalt  }
0x65: {  	_ =	shalt  }
0x66: {  	_ =	shalt  }
0x67: {  	_ =	shalt  }
0x68: {  	_ =	shalt  }
0x69: {  	_ =	shalt  }
0x6a: {  	_ =	shalt  }
0x6b: {  	_ =	shalt  }
0x6c: {  	_ =	shalt  }
0x6d: {  	_ =	shalt  }
0x6e: {  	_ =	shalt  }
0x6f: {  	_ =	shalt  }
0x70: {  	_ =	shalt  }
0x71: {  	_ =	shalt  }
0x72: {  	_ =	shalt  }
0x73: {  	_ =	shalt  }
0x74: {  	_ =	shalt  }
0x75: {  	_ =	shalt  }
0x76: {  	_ =	shalt  }
0x77: {  	_ =	shalt  }
0x78: {  	_ =	shalt  }
0x79: {  	_ =	shalt  }
0x7a: {  	_ =	shalt  }
0x7b: {  	_ =	shalt  }
0x7c: {  	_ =	shalt  }
0x7d: {  	_ =	shalt  }
0x7e: {  	_ =	shalt  }
0x7f: {  	_ =	shalt  }
0x80: {  	_ =	shalt  }
0x81: {  	_ =	shalt  }
0x82: {  	_ =	shalt  }
0x83: {  	_ =	shalt  }
0x84: {  	_ =	shalt  }
0x85: {  	_ =	shalt  }
0x86: {  	_ =	shalt  }
0x87: {  	_ =	shalt  }
.Lfunc_end0:
.L_simem_size_0:
called_computation.1_lowered:
.L_overlay_start_0:
0x88: {  	s2 =	sld [smem:$0x3FD9]  }
0x89: {  	s3 =	sld [smem:$0x3FFE];
	_ =	sdelay $0x1  }
0x8a: {  	s1 =	srdreg.scid  }
0x8b: {  	s0 =	sand.u32 $0x1, s1  }
0x8c: {  	s17 =	sshll.u32 s0, $0xA;
	s2 =	sadd.s32 s3, s2  }
0x8d: {  	s2 =	sadd.s32 s2, s17  }
0x8e: {  	[smem:$0x3FBA] =	sst s2  }
0x8f: {  	_ = 	snop  }
0x90: {  	s2 =	sld [smem:$0x3FD0];
	(tm) =	ssettm $0x1  }
0x91: {  	s18 =	sld [smem:$0x3FFB];
	_ =	sdelay $0x3  }
0x92: {  	_ =	strace s18  }
0x93: {  	s3 =	sld [smem:$0x3FFC];
	_ =	sdelay $0x3  }
0x94: {  	_ =	strace s3  }
0x95: {  	s3 =	sld [smem:$0x3FFD];
	_ =	sdelay $0x3  }
0x96: {  	_ =	strace s3  }
0x97: {  	_ =	strace $0x8FFFFFFF  }
0x98: {  	s19 =	sld [smem:$0x3FDB];
	_ =	sdelay $0x1  }
0x99: {  	s4 =	simm.s32 $_scs_section_size  }
0x9a: {  	s5 =	simm.s32 $_size__tile_overlayer_lowered;
	s6 =	simm.s32 $_tile_overlayer_lowered  }
0x9b: {  	s22 =	simm.s32 $0x1BFF;
	s21 =	sshll.u32 s6, $0x1;
	s3 =	sadd.s32 s4, s19  }
0x9c: {  	s7 =	simm.s32 $0x0;
	s20 =	sshll.u32 s5, $0x1;
	s5 =	sadd.s32 s21, s3  }
0x9d: {  	[timem:s7], [sflag:s22] =	dma.local [hbm:s5], s20  }
0x9e: {  	_ =	swait.ge [sflag:s22], s20  }
0x9f: {  	s4 =	ssub.s32 $0x0, s20;
	[sflag:s22] =	ssyncset.done $0x0  }
0xa0: {  	[sflag:s22] =	ssyncadd.s32 s4;
	_ =	sdelay $0x1  }
0xa1: {  	s23 =	simm.s32 $0x1B8B  }
0xa2: {  	_ =	swait.ge [sflag:s23], $0x1  }
0xa3: {  	[sflag:s23] =	ssyncset.done $0x0  }
0xa4: {  	s25 =	simm.s32 $0x1B8E;
	s24 =	sld [smem:$0x3FFE];
	[sflag:s23] =	ssyncadd.s32 $0xFFFFFFFF  }
0xa5: {  	s26 =	simm.s32 $execute0_lowered;
	[smem:$0x3FD2] =	sst s25  }
0xa6: {  	s5 =	sshll.u32 s26, $0x1;
	_ =	strace $0x80000046;
	[dreg:$0x1] =	wrdreg $0xFFFFFFFF  }
0xa7: {  	s28 =	simm.s32 $_size_execute0_lowered;
	s3 =	sadd.s32 s3, s5;
	[dreg:$0x0] =	wrdreg $0x0  }
0xa8: {  	s5 =	sshll.u32 s28, $0x1;
	[dreg:$0x2] =	wrdreg s3  }
0xa9: {  	[dreg:$0x3] =	wrdreg s5  }
0xaa: {  	[dreg:$0x4] =	wrdreg $0xC0  }
0xab: {  	_ =	task [dreg:s7], $0x5FFFF  }
0xac: {  	[dreg:$0x1] =	wrdreg $0xFFFFFFFF  }
0xad: {  	[dreg:$0x0] =	wrdreg $0x60  }
0xae: {  	[dreg:$0x2] =	wrdreg s24  }
0xaf: {  	[dreg:$0x3] =	wrdreg s2  }
0xb0: {  	[dreg:$0x4] =	wrdreg $0xA9000  }
0xb1: {  	[dreg:$0x5] =	wrdreg $0xA  }
0xb2: {  	_ =	task.clear_ibuf [dreg:s7], $0x6FFFF;
	_ =	strace $0x90000046  }
0xb3: {  	s29 =	simm.s32 $0xA;
	_ =	strace $0x80000048  }
0xb4: {  	_ =	swait.ge [sflag:s29], $0x1  }
0xb5: {  	[sflag:s29] =	ssyncadd.s32 $0xFFFFFFFF  }
0xb6: {  	_ =	strace $0x90000048  }
0xb7: {  	_ =	sfence  }
0xb8: {  	s30 =	sld [smem:$0x0];
	_ =	sdelay $0x2  }
0xb9: {  	s31 =	sshll.u32 s1, $0xD;
	s1 =	sshrl.u32 s1, $0x2  }
0xba: {  	s3 =	sand.u32 $0x4000, s31;
	s1 =	sadd.s32 s1, s30  }
0xbb: {  	s0 =	sor.u32 s3, s0;
	s1 =	sshll.u32 s1, $0x11  }
0xbc: {  	s0 =	sor.u32 s1, s0  }
0xbd: {  	s0 =	sadd.s32 $0x8F2B, s0  }
0xbe: {  	[sflag:s0] =	ssyncadd.remote.s32 $0x1  }
0xbf: {  	_ =	sfence.sel $0xFFFF  }
0xc0: {  	[dreg:$0x0] =	wrdreg $0xFFFFFFFF;
	(pc) =	sbr.abs _section_cstart, $3  }
0xc1: {  	[dreg:$0x1] =	wrdreg $0xFFFFFFFF  }
0xc2: {  	_ =	task.clear_ibuf [dreg:s7], $0x2FFFF;
	_ =	strace $0x9FFFFFFF  }
0xc3: {  	(tm) =	ssettm $0x7FFFFFFF  }
tec
execute0_lowered:
.L_overlay_start_1:
0x0: {  	(tag) =	ssettag $0x1  }
0x1: {  	s5 =	rddreg [dreg:$0x0]  }
0x2: {  	s7 =	rddreg [dreg:$0x1]  }
0x3: {  	s0 =	stileid.u32;
	s1 =	srdreg.scid  }
0x4: {  	s2 =	rddreg [dreg:$0x2];
	s3 =	simm.s32 $0x0;
	s14 =	simm.s32 $0x7  }
0x5: {  	s17 =	simm.s32 $0x80;
	s18 =	simm.s32 $0x1;
	s19 =	simm.s32 $0x100  }
0x6: {  	s20 =	simm.s32 $0x3;
	s21 =	simm.s32 $0x2;
	s22 =	simm.s32 $0x4100  }
0x7: {  	s23 =	simm.s32 $0x4;
	s24 =	simm.s32 $0x8180;
	s25 =	simm.s32 $0x5  }
0x8: {  	s26 =	simm.s32 $0x6;
	s28 =	simm.s32 $0x0;
	s4 =	smul.u32 $0x50, s0  }
0x9: {  	s6 =	sand.u32 $0x1, s1;
	s29 =	smul.u32 $0x2780, s0;
	[smem:$0x7FF] =	sst s3  }
0xa: {  	s12 =	smul.u32 $0x4F000, s0;
	s15 =	sshll.u32 s0, $0x6;
	p0 =	seq.s32 s6, $0x0  }
0xb: {  	s10 =	smul.u32 $0x27800, s6;
	_ =	strace $0x80000047;
	s6 =	ssub.s32 $0x2, s6  }
0xc: {  	s15 =	sor.u32 $0x1C07, s15;
	s8 =	sadd.s32 $0x500, s4;
	s30 =	sshrl.u32 s6, $0x1  }
0xd: {  	s31 =	sshrl.u32 s12, $0x2;
	s4 =	smov.u32 @p0 s8;
	s10 =	sadd.s32 s29, s10  }
0xe: {  	s8 =	sadd.s32 s29, s5;
	s13 =	ssub.s32 s6, s30;
	s16 =	sadd.s32 s31, s2  }
.Ltmp0:
0xf: {  	s9 =	sshll.u32 s4, $0x4;
	s4 =	sadd.s32 $0xD200, s5;
	(pc) =	sbr.rel .LBB2_1-.Ltmp0, $4  }
0x10: {  	s10 =	sadd.s32 s10, s5;
	s6 =	sadd.s32 $0x34400, s8;
	s16 =	sshrl.u32 s16, $0x3  }
0x11: {  	s11 =	sadd.s32 s9, s5;
	s7 =	sadd.s32 s7, s9;
	s9 =	sadd.s32 $0x5BC00, s10  }
0x12: {  	s10 =	smax.u32 s13, $0x1;
	s13 =	simm.s32 $0x8100;
	s5 =	sadd.s32 $0x3200, s11  }
0x13: {  	s8 =	sadd.s32 $0x10, s7;
	s11 =	sadd.s32 $0x20, s7;
	s12 =	sadd.s32 $0x30, s7  }
.LBB2_4:
0x14: {  	_ =	swait.ge [sflag:s25], $0x4000  }
0x15: {  	[sflag:s25] =	ssyncset.done $0x0  }
0x16: {  	[sflag:s25] =	ssyncadd.s32 $0xFFFFC000  }
0x17: {  	_ =	swait.ge [sflag:s26], $0x4000  }
0x18: {  	s28 =	sadd.s32 $0x1, s28;
	[sflag:s26] =	ssyncset.done $0x0  }
0x19: {  	p0 =	sne.s32 s28, s10;
	[sflag:s26] =	ssyncadd.s32 $0xFFFFC000  }
.Ltmp1:
0x1a: {  	[bflag:$0x0] =	sbarrier.arrive $0xFFFF;
	(pc) =	sbr.rel @!p0 .LBB2_5-.Ltmp1, $4  }
0x1b: {  	[hbm:s9], [sflag:s15] =	dma.local [spmem:s16], $0x2780  }
0x1c: {  	_ =	swait.ge [sflag:s14], $0x2780  }
0x1d: {  	[sflag:s14] =	ssyncset.done $0x0  }
0x1e: {  	[sflag:s14] =	ssyncadd.s32 $0xFFFFD880  }
.LBB2_1:
0x1f: {  	[tilespmem:s13], [sflag:$0x7] =	stream.linear.gather [hbm4b:s5+s3], $0x2800, $0x38;
	[tilespmem:$0x1E500] =	vst v63  }
0x20: {  	_ =	swait.ge [sflag:s14], $0x2800  }
0x21: {  	[sflag:s14] =	ssyncset.done $0x0  }
0x22: {  	[sflag:s14] =	ssyncadd.s32 $0xFFFFD800  }
0x23: {  	[spmem:s16], [sflag:s15] =	dma.local [hbm:s6], $0x2780  }
0x24: {  	_ =	swait.ge [sflag:s14], $0x2780  }
0x25: {  	[sflag:s14] =	ssyncset.done $0x0  }
0x26: {  	[sflag:s14] =	ssyncadd.s32 $0xFFFFD880  }
0x27: {  	[bflag:$0x0] =	sbarrier.arrive $0xFFFF  }
0x28: {  	[tilespmem:s3], [sflag:$0x1] =	stream.linear.gather [hbm4b:s7+s3], $0x80, $0x38;
	[tilespmem:$0x1E500] =	vst v63  }
0x29: {  	_ = 	snop  }
0x2a: {  	[tilespmem:s17], [sflag:$0x2] =	stream.linear.gather [hbm4b:s8+s3], $0x80, $0x38;
	[tilespmem:$0x1E500] =	vst v63  }
0x2b: {  	_ =	swait.ge [sflag:s18], $0x80  }
0x2c: {  	[sflag:s18] =	ssyncset.done $0x0  }
0x2d: {  	[sflag:s18] =	ssyncadd.s32 $0xFFFFFF80  }
0x2e: {  	[tilespmem:s19], [sflag:$0x3] =	stream.indirect.gather [hbm4b:s4+s17], $0x80, s3, s17, $0xb8;
	[tilespmem:$0x1E500] =	vst v63  }
0x2f: {  	_ =	swait.ge [sflag:s20], $0x4000  }
0x30: {  	[sflag:s20] =	ssyncset.done $0x0  }
0x31: {  	[sflag:s20] =	ssyncadd.s32 $0xFFFFC000  }
0x32: {  	[spmem:s2] =	stream.indirect.scatter.add.f32 [tilespmem:s19], [sflag:$0x5], $0x80, s13, s17, $0xb8;
	[tilespmem:$0x1E500] =	vst v63  }
0x33: {  	_ = 	snop  }
0x34: {  	[tilespmem:s3], [sflag:$0x1] =	stream.linear.gather [hbm4b:s11+s3], $0x80, $0x38;
	[tilespmem:$0x1E500] =	vst v63  }
0x35: {  	_ =	swait.ge [sflag:s21], $0x80  }
0x36: {  	[sflag:s21] =	ssyncset.done $0x0  }
0x37: {  	[sflag:s21] =	ssyncadd.s32 $0xFFFFFF80  }
0x38: {  	[tilespmem:s22], [sflag:$0x4] =	stream.indirect.gather [hbm4b:s4+s17], $0x80, s17, s17, $0xb8;
	[tilespmem:$0x1E500] =	vst v63  }
0x39: {  	_ =	swait.ge [sflag:s23], $0x4000  }
0x3a: {  	[sflag:s23] =	ssyncset.done $0x0  }
0x3b: {  	[sflag:s23] =	ssyncadd.s32 $0xFFFFC000  }
0x3c: {  	[spmem:s2] =	stream.indirect.scatter.add.f32 [tilespmem:s22], [sflag:$0x6], $0x80, s24, s17, $0xb8;
	[tilespmem:$0x1E500] =	vst v63  }
0x3d: {  	s29 =	simm.s32 $0x8280;
	s30 =	simm.s32 $0xFFFFFB40  }
0x3e: {  	[tilespmem:s17], [sflag:$0x2] =	stream.linear.gather [hbm4b:s12+s3], $0x80, $0x38;
	[tilespmem:$0x1E500] =	vst v63  }
.LBB2_2:
0x3f: {  	_ =	swait.ge [sflag:s25], $0x4000  }
0x40: {  	[sflag:s25] =	ssyncset.done $0x0  }
0x41: {  	[sflag:s25] =	ssyncadd.s32 $0xFFFFC000  }
0x42: {  	_ =	swait.ge [sflag:s18], $0x80  }
0x43: {  	[sflag:s18] =	ssyncset.done $0x0  }
0x44: {  	[sflag:s18] =	ssyncadd.s32 $0xFFFFFF80  }
0x45: {  	[tilespmem:s19], [sflag:$0x3] =	stream.indirect.gather [hbm4b:s4+s17], $0x80, s3, s17, $0xb8;
	[tilespmem:$0x1E500] =	vst v63  }
0x46: {  	_ =	swait.ge [sflag:s20], $0x4000  }
0x47: {  	[sflag:s20] =	ssyncset.done $0x0  }
0x48: {  	s31 =	sadd.s32 $0xFFFFFF80, s29;
	p0 =	seq.s32 s30, $0x0;
	[sflag:s20] =	ssyncadd.s32 $0xFFFFC000  }
0x49: {  	[spmem:s2] =	stream.indirect.scatter.add.f32 [tilespmem:s19], [sflag:$0x5], $0x80, s31, s17, $0xb8;
	[tilespmem:$0x1E500] =	vst v63  }
0x4a: {  	s31 =	sadd.s32 @!p0 s30, s7  }
0x4b: {  	s1 =	simm.s32 @!p0 $0x0;
	s31 =	sadd.s32 @!p0 $0x500, s31  }
0x4c: {  	[tilespmem:s1], [sflag:$0x1] =	stream.linear.gather @!p0 [hbm4b:s31+s1], $0x80, $0x38;
	[tilespmem:$0x1E500] =	vst v63  }
0x4d: {  	_ =	swait.ge [sflag:s26], $0x4000  }
0x4e: {  	[sflag:s26] =	ssyncset.done $0x0  }
0x4f: {  	[sflag:s26] =	ssyncadd.s32 $0xFFFFC000  }
0x50: {  	_ =	swait.ge [sflag:s21], $0x80  }
0x51: {  	[sflag:s21] =	ssyncset.done $0x0  }
0x52: {  	[sflag:s21] =	ssyncadd.s32 $0xFFFFFF80  }
0x53: {  	[tilespmem:s22], [sflag:$0x4] =	stream.indirect.gather [hbm4b:s4+s17], $0x80, s17, s17, $0xb8;
	[tilespmem:$0x1E500] =	vst v63  }
.Ltmp2:
0x54: {  	_ = 	snop;
	(pc) =	sbr.rel @p0 .LBB2_4-.Ltmp2, $4  }
0x55: {  	_ =	swait.ge [sflag:s23], $0x4000  }
0x56: {  	[sflag:s23] =	ssyncset.done $0x0  }
0x57: {  	[sflag:s23] =	ssyncadd.s32 $0xFFFFC000  }
0x58: {  	[spmem:s2] =	stream.indirect.scatter.add.f32 [tilespmem:s22], [sflag:$0x6], $0x80, s29, s17, $0xb8;
	[tilespmem:$0x1E500] =	vst v63  }
.Ltmp3:
0x59: {  	(pc) =	sbr.rel .LBB2_2-.Ltmp3, $4  }
0x5a: {  	_ = 	snop  }
0x5b: {  	s1 =	sadd.s32 s30, s7  }
0x5c: {  	s29 =	sadd.s32 $0x100, s29;
	s30 =	sadd.s32 $0x20, s30;
	s1 =	sadd.s32 $0x510, s1  }
0x5d: {  	[tilespmem:s17], [sflag:$0x2] =	stream.linear.gather [hbm4b:s1+s3], $0x80, $0x38;
	[tilespmem:$0x1E500] =	vst v63  }
.LBB2_5:
0x5e: {  	_ =	sfence.sel $0x180000  }
0x5f: {  	[bflag:$0x0] =	sbarrier.arrive $0xFFFF  }
0x60: {  	_ =	strace $0x90000047  }
0x61: {  	[bflag:$0x2] =	sbarrier.arrive $0xFFFF  }
0x62: {  	p0 =	sne.s32 s0, $0x0;
	s0 =	rddreg [dreg:$0x3]  }
0x63: {  	s0 =	sadd.s32 @!p0 $0x100000, s0  }
0x64: {  	[sflag:s0] =	ssyncadd.tile.s32 @!p0 $0x1;
	_ =	shalt  }
.Lfunc_end2:
_tile_overlayer_lowered:
.L_overlay_start_2:
0x65: {  	(tag) =	ssettag $0x2  }
0x66: {  	s0 =	rddreg [dreg:$0x0];
	s2 =	stileid.u32  }
0x67: {  	s1 =	rddreg [dreg:$0x1];
	p0 =	sne.s32 s2, $0x0  }
0x68: {  	s3 =	rddreg [dreg:$0x2];
	[bflag:$0x3] =	sbarrier.arrive $0xFFFF;
	s2 =	simm.s32 @!p0 $0x1C07  }
0x69: {  	[timem:s3], [sflag:s2] =	dma.local @!p0 [hbm:s0], s1  }
0x6a: {  	s0 =	simm.s32 @!p0 $0x7  }
0x6b: {  	_ =	swait.ge @!p0 [sflag:s0], s1  }
0x6c: {  	s1 =	ssub.s32 @!p0 $0x0, s1;
	[sflag:s0] =	ssyncset.done @!p0 $0x0  }
0x6d: {  	[sflag:s0] =	ssyncadd.s32 @!p0 s1  }
0x6e: {  	[bflag:$0x3] =	sbarrier.arrive $0xFFFF  }
0x6f: {  	_ =	shalt  }

// kernel: kernel.14.cloned.1.call-start
scs
__scs_entry_jumppad:
0x0: {  	(pc) =	sbr.rel $0x88, $3  }
0x1: {  	(tag) =	ssettag $0x0;
	lr =	simm.s32 $0x1  }
0x2: {  	[smem:$0x3F93] =	sst lr;
	_ =	strace $0xD0000000  }
0x3: {  	_ = 	snop  }
0x4: {  	_ = 	snop  }
0x5: {  	_ = 	snop  }
0x6: {  	_ = 	snop  }
0x7: {  	_ = 	snop  }
__scs_overlays_trampoline_lowered:
0x8: {  	[smem:$0x3FA2] =	sst s0  }
0x9: {  	[smem:$0x3FA3] =	sst s1  }
0xa: {  	[smem:$0x3FA4] =	sst s2  }
0xb: {  	[smem:$0x3FA5] =	sst s3  }
0xc: {  	[smem:$0x3FA6] =	sst s4  }
0xd: {  	[smem:$0x3FA7] =	sst s5  }
0xe: {  	[smem:$0x3FA8] =	sst s6  }
0xf: {  	[smem:$0x3FA9] =	sst s7  }
0x10: {  	[smem:$0x3FAA] =	sst s8  }
0x11: {  	[smem:$0x3FAB] =	sst s9;
	s0 =	simm.s32 @!p0 $0x0  }
0x12: {  	s1 =	sld [smem:$0x3F91];
	s0 =	simm.s32 @p0 $0x1  }
0x13: {  	[smem:$0x3FAC] =	sst s0;
	s0 =	simm.s32 @!p1 $0x0  }
0x14: {  	s2 =	sld [smem:$0x3F90];
	s0 =	simm.s32 @p1 $0x1  }
0x15: {  	[smem:$0x3FAD] =	sst s0;
	s0 =	simm.s32 @!p2 $0x0  }
0x16: {  	s3 =	sld [smem:$0x3FDB];
	s0 =	simm.s32 @p2 $0x1  }
0x17: {  	s4 =	simm.s32 $0x1BF5;
	[smem:$0x3FAF] =	sst s0  }
0x18: {  	s0 =	sld [smem:$0x3F92];
	_ =	swait.ge [sflag:s4], $0x0  }
0x19: {  	s7 =	sld [smem:$0x3F93]  }
0x1a: {  	s8 =	sadd.s32 $0xFFFFE003, lr  }
0x1b: {  	s9 =	sadd.s32 $0xFFFFFEF7, lr;
	s5 =	simm.s32 $0xFFFFFFFF;
	p2 =	slt.u32 s8, $0xFFFFF086  }
0x1c: {  	p1 =	slt.u32 s9, $0xF7A;
	s5 =	simm.s32 @!p2 $0x0  }
0x1d: {  	s5 =	simm.s32 @p1 $0x1;
	p0 =	seq.s32 s7, s2  }
0x1e: {  	s7 =	smul.u32 @!p0 $0xF7A, s2;
	p2 =	seq.s32 @!p0 s5, $0x0  }
0x1f: {  	s9 =	smul.u32 $0xF7A, s1;
	s8 =	simm.s32 @!p0 $0x1BF5;
	p2 =	por !p2, p0  }
0x20: {  	[sflag:s8] =	ssyncset.s32 @!p0 $0xFFFFF086;
	s6 =	sadd.s32 @!p0 s3, s7;
	s7 =	simm.s32 @!p0 $0x108  }
0x21: {  	s3 =	sadd.s32 s3, s9;
	s6 =	sadd.s32 @!p0 $0x88, s6;
	s7 =	simm.s32 @p2 $0x1082  }
0x22: {  	[simem:s7], [sflag:s8] =	dma.local @!p0 [hbm:s6], $0xF7A  }
0x23: {  	s9 =	sor.u32 $0xD0000000, s2;
	s6 =	simm.s32 $0x108;
	_ =	swait.ge @!p0 [sflag:s8], $0x0  }
0x24: {  	s3 =	sadd.s32 $0x88, s3;
	s6 =	simm.s32 @!p1 $0x1082;
	[sflag:s4] =	ssyncset.s32 $0xFFFFF086  }
0x25: {  	[simem:s6], [sflag:s4] =	dma.local [hbm:s3], $0xF7A  }
0x26: {  	[smem:$0x3F93] =	sst s1;
	(tag) =	ssettag s2;
	_ =	strace s9  }
0x27: {  	s1 =	sld [smem:$0x3FA3]  }
0x28: {  	s2 =	sld [smem:$0x3FA4]  }
0x29: {  	s4 =	sld [smem:$0x3FA6]  }
0x2a: {  	p0 =	seq.s32 s5, $0x0;
	s5 =	sld [smem:$0x3FA7]  }
0x2b: {  	s6 =	sld [smem:$0x3FA8]  }
0x2c: {  	s7 =	sld [smem:$0x3FA9]  }
0x2d: {  	s3 =	simm.s32 $0x108;
	s8 =	sld [smem:$0x3FAA]  }
0x2e: {  	s3 =	simm.s32 @!p0 $0x1082;
	s9 =	sld [smem:$0x3FAB]  }
0x2f: {  	lr =	sadd.s32 s0, s3;
	s0 =	sld [smem:$0x3FA2]  }
0x30: {  	s3 =	sld [smem:$0x3FA5]  }
0x31: {  	[smem:$0x3FAE] =	sst s10  }
0x32: {  	s10 =	sld [smem:$0x3FAC];
	_ =	sdelay $0x3  }
0x33: {  	p0 =	seq.s32 s10, $0x1;
	s10 =	sld [smem:$0x3FAE];
	_ =	sdelay $0x3  }
0x34: {  	[smem:$0x3FAE] =	sst s10  }
0x35: {  	s10 =	sld [smem:$0x3FAD];
	_ =	sdelay $0x3  }
0x36: {  	p1 =	seq.s32 s10, $0x1;
	s10 =	sld [smem:$0x3FAE];
	_ =	sdelay $0x3  }
0x37: {  	[smem:$0x3FAE] =	sst s10  }
0x38: {  	s10 =	sld [smem:$0x3FAF]  }
0x39: {  	_ = 	snop;
	(pc) =	sbr.ind lr, $3  }
0x3a: {  	_ = 	snop  }
0x3b: {  	_ = 	snop  }
0x3c: {  	p2 =	seq.s32 s10, $0x1;
	s10 =	sld [smem:$0x3FAE]  }
0x3d: {  	_ =	shalt  }
0x3e: {  	_ =	shalt  }
0x3f: {  	_ =	shalt  }
0x40: {  	_ =	shalt  }
0x41: {  	_ =	shalt  }
0x42: {  	_ =	shalt  }
0x43: {  	_ =	shalt  }
0x44: {  	_ =	shalt  }
0x45: {  	_ =	shalt  }
0x46: {  	_ =	shalt  }
0x47: {  	_ =	shalt  }
0x48: {  	_ =	shalt  }
0x49: {  	_ =	shalt  }
0x4a: {  	_ =	shalt  }
0x4b: {  	_ =	shalt  }
0x4c: {  	_ =	shalt  }
0x4d: {  	_ =	shalt  }
0x4e: {  	_ =	shalt  }
0x4f: {  	_ =	shalt  }
0x50: {  	_ =	shalt  }
0x51: {  	_ =	shalt  }
0x52: {  	_ =	shalt  }
0x53: {  	_ =	shalt  }
0x54: {  	_ =	shalt  }
0x55: {  	_ =	shalt  }
0x56: {  	_ =	shalt  }
0x57: {  	_ =	shalt  }
0x58: {  	_ =	shalt  }
0x59: {  	_ =	shalt  }
0x5a: {  	_ =	shalt  }
0x5b: {  	_ =	shalt  }
0x5c: {  	_ =	shalt  }
0x5d: {  	_ =	shalt  }
0x5e: {  	_ =	shalt  }
0x5f: {  	_ =	shalt  }
0x60: {  	_ =	shalt  }
0x61: {  	_ =	shalt  }
0x62: {  	_ =	shalt  }
0x63: {  	_ =	shalt  }
0x64: {  	_ =	shalt  }
0x65: {  	_ =	shalt  }
0x66: {  	_ =	shalt  }
0x67: {  	_ =	shalt  }
0x68: {  	_ =	shalt  }
0x69: {  	_ =	shalt  }
0x6a: {  	_ =	shalt  }
0x6b: {  	_ =	shalt  }
0x6c: {  	_ =	shalt  }
0x6d: {  	_ =	shalt  }
0x6e: {  	_ =	shalt  }
0x6f: {  	_ =	shalt  }
0x70: {  	_ =	shalt  }
0x71: {  	_ =	shalt  }
0x72: {  	_ =	shalt  }
0x73: {  	_ =	shalt  }
0x74: {  	_ =	shalt  }
0x75: {  	_ =	shalt  }
0x76: {  	_ =	shalt  }
0x77: {  	_ =	shalt  }
0x78: {  	_ =	shalt  }
0x79: {  	_ =	shalt  }
0x7a: {  	_ =	shalt  }
0x7b: {  	_ =	shalt  }
0x7c: {  	_ =	shalt  }
0x7d: {  	_ =	shalt  }
0x7e: {  	_ =	shalt  }
0x7f: {  	_ =	shalt  }
0x80: {  	_ =	shalt  }
0x81: {  	_ =	shalt  }
0x82: {  	_ =	shalt  }
0x83: {  	_ =	shalt  }
0x84: {  	_ =	shalt  }
0x85: {  	_ =	shalt  }
0x86: {  	_ =	shalt  }
0x87: {  	_ =	shalt  }
.Lfunc_end0:
.L_simem_size_0:
called_computation.2_lowered:
.L_overlay_start_0:
0x88: {  	s2 =	sld [smem:$0x3FD9]  }
0x89: {  	s3 =	sld [smem:$0x3FFE];
	_ =	sdelay $0x1  }
0x8a: {  	s1 =	srdreg.scid  }
0x8b: {  	s0 =	sand.u32 $0x1, s1  }
0x8c: {  	s17 =	sshll.u32 s0, $0xA;
	s2 =	sadd.s32 s3, s2  }
0x8d: {  	s2 =	sadd.s32 s2, s17  }
0x8e: {  	[smem:$0x3FBA] =	sst s2  }
0x8f: {  	_ = 	snop  }
0x90: {  	s2 =	sld [smem:$0x3FD0];
	(tm) =	ssettm $0x1  }
0x91: {  	s18 =	sld [smem:$0x3FFB];
	_ =	sdelay $0x3  }
0x92: {  	_ =	strace s18  }
0x93: {  	s3 =	sld [smem:$0x3FFC];
	_ =	sdelay $0x3  }
0x94: {  	_ =	strace s3  }
0x95: {  	s3 =	sld [smem:$0x3FFD];
	_ =	sdelay $0x3  }
0x96: {  	_ =	strace s3  }
0x97: {  	_ =	strace $0x8FFFFFFF  }
0x98: {  	s19 =	sld [smem:$0x3FDB];
	_ =	sdelay $0x1  }
0x99: {  	s4 =	simm.s32 $_scs_section_size  }
0x9a: {  	s5 =	simm.s32 $_size__tile_overlayer_lowered;
	s6 =	simm.s32 $_tile_overlayer_lowered  }
0x9b: {  	s22 =	simm.s32 $0x1BFF;
	s21 =	sshll.u32 s6, $0x1;
	s3 =	sadd.s32 s4, s19  }
0x9c: {  	s7 =	simm.s32 $0x0;
	s20 =	sshll.u32 s5, $0x1;
	s5 =	sadd.s32 s21, s3  }
0x9d: {  	[timem:s7], [sflag:s22] =	dma.local [hbm:s5], s20  }
0x9e: {  	_ =	swait.ge [sflag:s22], s20  }
0x9f: {  	s4 =	ssub.s32 $0x0, s20;
	[sflag:s22] =	ssyncset.done $0x0  }
0xa0: {  	[sflag:s22] =	ssyncadd.s32 s4;
	_ =	sdelay $0x1  }
0xa1: {  	s23 =	simm.s32 $0x1B8B  }
0xa2: {  	_ =	swait.ge [sflag:s23], $0x1  }
0xa3: {  	[sflag:s23] =	ssyncset.done $0x0  }
0xa4: {  	s25 =	simm.s32 $0x1B8E;
	s24 =	sld [smem:$0x3FFE];
	[sflag:s23] =	ssyncadd.s32 $0xFFFFFFFF  }
0xa5: {  	s26 =	simm.s32 $execute0_lowered;
	[smem:$0x3FD2] =	sst s25  }
0xa6: {  	s5 =	sshll.u32 s26, $0x1;
	_ =	strace $0x8000004C;
	[dreg:$0x1] =	wrdreg $0xFFFFFFFF  }
0xa7: {  	s28 =	simm.s32 $_size_execute0_lowered;
	s3 =	sadd.s32 s3, s5;
	[dreg:$0x0] =	wrdreg $0x0  }
0xa8: {  	s5 =	sshll.u32 s28, $0x1;
	[dreg:$0x2] =	wrdreg s3  }
0xa9: {  	[dreg:$0x3] =	wrdreg s5  }
0xaa: {  	[dreg:$0x4] =	wrdreg $0xC0  }
0xab: {  	_ =	task [dreg:s7], $0x5FFFF  }
0xac: {  	[dreg:$0x1] =	wrdreg $0xFFFFFFFF  }
0xad: {  	[dreg:$0x0] =	wrdreg $0x60  }
0xae: {  	[dreg:$0x2] =	wrdreg s24  }
0xaf: {  	[dreg:$0x3] =	wrdreg s2  }
0xb0: {  	[dreg:$0x4] =	wrdreg $0xA9000  }
0xb1: {  	[dreg:$0x5] =	wrdreg $0x9  }
0xb2: {  	_ =	task.clear_ibuf [dreg:s7], $0x6FFFF;
	_ =	strace $0x9000004C  }
0xb3: {  	s29 =	simm.s32 $0x9;
	_ =	strace $0x8000004E  }
0xb4: {  	_ =	swait.ge [sflag:s29], $0x1  }
0xb5: {  	[sflag:s29] =	ssyncadd.s32 $0xFFFFFFFF  }
0xb6: {  	_ =	strace $0x9000004E  }
0xb7: {  	_ =	sfence  }
0xb8: {  	s30 =	sld [smem:$0x0];
	_ =	sdelay $0x2  }
0xb9: {  	s31 =	sshll.u32 s1, $0xD;
	s1 =	sshrl.u32 s1, $0x2  }
0xba: {  	s3 =	sand.u32 $0x4000, s31;
	s1 =	sadd.s32 s1, s30  }
0xbb: {  	s0 =	sor.u32 s3, s0;
	s1 =	sshll.u32 s1, $0x11  }
0xbc: {  	s0 =	sor.u32 s1, s0  }
0xbd: {  	s0 =	sadd.s32 $0x8F2B, s0  }
0xbe: {  	[sflag:s0] =	ssyncadd.remote.s32 $0x1  }
0xbf: {  	_ =	sfence.sel $0xFFFF  }
0xc0: {  	[dreg:$0x0] =	wrdreg $0xFFFFFFFF;
	(pc) =	sbr.abs _section_cstart, $3  }
0xc1: {  	[dreg:$0x1] =	wrdreg $0xFFFFFFFF  }
0xc2: {  	_ =	task.clear_ibuf [dreg:s7], $0x2FFFF;
	_ =	strace $0x9FFFFFFF  }
0xc3: {  	(tm) =	ssettm $0x7FFFFFFF  }
tec
execute0_lowered:
.L_overlay_start_1:
0x0: {  	(tag) =	ssettag $0x1  }
0x1: {  	s5 =	rddreg [dreg:$0x0]  }
0x2: {  	s7 =	rddreg [dreg:$0x1]  }
0x3: {  	s0 =	stileid.u32;
	s1 =	srdreg.scid  }
0x4: {  	s2 =	rddreg [dreg:$0x2];
	s3 =	simm.s32 $0x0;
	s14 =	simm.s32 $0x7  }
0x5: {  	s17 =	simm.s32 $0x80;
	s18 =	simm.s32 $0x1;
	s19 =	simm.s32 $0x100  }
0x6: {  	s20 =	simm.s32 $0x3;
	s21 =	simm.s32 $0x2;
	s22 =	simm.s32 $0x4100  }
0x7: {  	s23 =	simm.s32 $0x4;
	s24 =	simm.s32 $0x8180;
	s25 =	simm.s32 $0x5  }
0x8: {  	s26 =	simm.s32 $0x6;
	s28 =	simm.s32 $0x0;
	s4 =	smul.u32 $0x50, s0  }
0x9: {  	s6 =	sand.u32 $0x1, s1;
	s29 =	smul.u32 $0x2780, s0;
	[smem:$0x7FF] =	sst s3  }
0xa: {  	s12 =	smul.u32 $0x4F000, s0;
	s15 =	sshll.u32 s0, $0x6;
	p0 =	seq.s32 s6, $0x0  }
0xb: {  	s10 =	smul.u32 $0x27800, s6;
	_ =	strace $0x8000004D;
	s6 =	ssub.s32 $0x2, s6  }
0xc: {  	s15 =	sor.u32 $0x1C07, s15;
	s8 =	sadd.s32 $0x500, s4;
	s30 =	sshrl.u32 s6, $0x1  }
0xd: {  	s31 =	sshrl.u32 s12, $0x2;
	s4 =	smov.u32 @p0 s8;
	s10 =	sadd.s32 s29, s10  }
0xe: {  	s8 =	sadd.s32 s29, s5;
	s13 =	ssub.s32 s6, s30;
	s16 =	sadd.s32 s31, s2  }
.Ltmp0:
0xf: {  	s9 =	sshll.u32 s4, $0x4;
	s4 =	sadd.s32 $0x82E00, s5;
	(pc) =	sbr.rel .LBB2_1-.Ltmp0, $4  }
0x10: {  	s10 =	sadd.s32 s10, s5;
	s6 =	sadd.s32 $0x34400, s8;
	s16 =	sshrl.u32 s16, $0x3  }
0x11: {  	s11 =	sadd.s32 s9, s5;
	s7 =	sadd.s32 s7, s9;
	s9 =	sadd.s32 $0xD1200, s10  }
0x12: {  	s10 =	smax.u32 s13, $0x1;
	s13 =	simm.s32 $0x8100;
	s5 =	sadd.s32 $0x3200, s11  }
0x13: {  	s8 =	sadd.s32 $0x10, s7;
	s11 =	sadd.s32 $0x20, s7;
	s12 =	sadd.s32 $0x30, s7  }
.LBB2_4:
0x14: {  	_ =	swait.ge [sflag:s25], $0x4000  }
0x15: {  	[sflag:s25] =	ssyncset.done $0x0  }
0x16: {  	[sflag:s25] =	ssyncadd.s32 $0xFFFFC000  }
0x17: {  	_ =	swait.ge [sflag:s26], $0x4000  }
0x18: {  	s28 =	sadd.s32 $0x1, s28;
	[sflag:s26] =	ssyncset.done $0x0  }
0x19: {  	p0 =	sne.s32 s28, s10;
	[sflag:s26] =	ssyncadd.s32 $0xFFFFC000  }
.Ltmp1:
0x1a: {  	[bflag:$0x0] =	sbarrier.arrive $0xFFFF;
	(pc) =	sbr.rel @!p0 .LBB2_5-.Ltmp1, $4  }
0x1b: {  	[hbm:s9], [sflag:s15] =	dma.local [spmem:s16], $0x2780  }
0x1c: {  	_ =	swait.ge [sflag:s14], $0x2780  }
0x1d: {  	[sflag:s14] =	ssyncset.done $0x0  }
0x1e: {  	[sflag:s14] =	ssyncadd.s32 $0xFFFFD880  }
.LBB2_1:
0x1f: {  	[tilespmem:s13], [sflag:$0x7] =	stream.linear.gather [hbm4b:s5+s3], $0x2800, $0x38;
	[tilespmem:$0x1E500] =	vst v63  }
0x20: {  	_ =	swait.ge [sflag:s14], $0x2800  }
0x21: {  	[sflag:s14] =	ssyncset.done $0x0  }
0x22: {  	[sflag:s14] =	ssyncadd.s32 $0xFFFFD800  }
0x23: {  	[spmem:s16], [sflag:s15] =	dma.local [hbm:s6], $0x2780  }
0x24: {  	_ =	swait.ge [sflag:s14], $0x2780  }
0x25: {  	[sflag:s14] =	ssyncset.done $0x0  }
0x26: {  	[sflag:s14] =	ssyncadd.s32 $0xFFFFD880  }
0x27: {  	[bflag:$0x0] =	sbarrier.arrive $0xFFFF  }
0x28: {  	[tilespmem:s3], [sflag:$0x1] =	stream.linear.gather [hbm4b:s7+s3], $0x80, $0x38;
	[tilespmem:$0x1E500] =	vst v63  }
0x29: {  	_ = 	snop  }
0x2a: {  	[tilespmem:s17], [sflag:$0x2] =	stream.linear.gather [hbm4b:s8+s3], $0x80, $0x38;
	[tilespmem:$0x1E500] =	vst v63  }
0x2b: {  	_ =	swait.ge [sflag:s18], $0x80  }
0x2c: {  	[sflag:s18] =	ssyncset.done $0x0  }
0x2d: {  	[sflag:s18] =	ssyncadd.s32 $0xFFFFFF80  }
0x2e: {  	[tilespmem:s19], [sflag:$0x3] =	stream.indirect.gather [hbm4b:s4+s17], $0x80, s3, s17, $0xb8;
	[tilespmem:$0x1E500] =	vst v63  }
0x2f: {  	_ =	swait.ge [sflag:s20], $0x4000  }
0x30: {  	[sflag:s20] =	ssyncset.done $0x0  }
0x31: {  	[sflag:s20] =	ssyncadd.s32 $0xFFFFC000  }
0x32: {  	[spmem:s2] =	stream.indirect.scatter.add.f32 [tilespmem:s19], [sflag:$0x5], $0x80, s13, s17, $0xb8;
	[tilespmem:$0x1E500] =	vst v63  }
0x33: {  	_ = 	snop  }
0x34: {  	[tilespmem:s3], [sflag:$0x1] =	stream.linear.gather [hbm4b:s11+s3], $0x80, $0x38;
	[tilespmem:$0x1E500] =	vst v63  }
0x35: {  	_ =	swait.ge [sflag:s21], $0x80  }
0x36: {  	[sflag:s21] =	ssyncset.done $0x0  }
0x37: {  	[sflag:s21] =	ssyncadd.s32 $0xFFFFFF80  }
0x38: {  	[tilespmem:s22], [sflag:$0x4] =	stream.indirect.gather [hbm4b:s4+s17], $0x80, s17, s17, $0xb8;
	[tilespmem:$0x1E500] =	vst v63  }
0x39: {  	_ =	swait.ge [sflag:s23], $0x4000  }
0x3a: {  	[sflag:s23] =	ssyncset.done $0x0  }
0x3b: {  	[sflag:s23] =	ssyncadd.s32 $0xFFFFC000  }
0x3c: {  	[spmem:s2] =	stream.indirect.scatter.add.f32 [tilespmem:s22], [sflag:$0x6], $0x80, s24, s17, $0xb8;
	[tilespmem:$0x1E500] =	vst v63  }
0x3d: {  	s29 =	simm.s32 $0x8280;
	s30 =	simm.s32 $0xFFFFFB40  }
0x3e: {  	[tilespmem:s17], [sflag:$0x2] =	stream.linear.gather [hbm4b:s12+s3], $0x80, $0x38;
	[tilespmem:$0x1E500] =	vst v63  }
.LBB2_2:
0x3f: {  	_ =	swait.ge [sflag:s25], $0x4000  }
0x40: {  	[sflag:s25] =	ssyncset.done $0x0  }
0x41: {  	[sflag:s25] =	ssyncadd.s32 $0xFFFFC000  }
0x42: {  	_ =	swait.ge [sflag:s18], $0x80  }
0x43: {  	[sflag:s18] =	ssyncset.done $0x0  }
0x44: {  	[sflag:s18] =	ssyncadd.s32 $0xFFFFFF80  }
0x45: {  	[tilespmem:s19], [sflag:$0x3] =	stream.indirect.gather [hbm4b:s4+s17], $0x80, s3, s17, $0xb8;
	[tilespmem:$0x1E500] =	vst v63  }
0x46: {  	_ =	swait.ge [sflag:s20], $0x4000  }
0x47: {  	[sflag:s20] =	ssyncset.done $0x0  }
0x48: {  	s31 =	sadd.s32 $0xFFFFFF80, s29;
	p0 =	seq.s32 s30, $0x0;
	[sflag:s20] =	ssyncadd.s32 $0xFFFFC000  }
0x49: {  	[spmem:s2] =	stream.indirect.scatter.add.f32 [tilespmem:s19], [sflag:$0x5], $0x80, s31, s17, $0xb8;
	[tilespmem:$0x1E500] =	vst v63  }
0x4a: {  	s31 =	sadd.s32 @!p0 s30, s7  }
0x4b: {  	s1 =	simm.s32 @!p0 $0x0;
	s31 =	sadd.s32 @!p0 $0x500, s31  }
0x4c: {  	[tilespmem:s1], [sflag:$0x1] =	stream.linear.gather @!p0 [hbm4b:s31+s1], $0x80, $0x38;
	[tilespmem:$0x1E500] =	vst v63  }
0x4d: {  	_ =	swait.ge [sflag:s26], $0x4000  }
0x4e: {  	[sflag:s26] =	ssyncset.done $0x0  }
0x4f: {  	[sflag:s26] =	ssyncadd.s32 $0xFFFFC000  }
0x50: {  	_ =	swait.ge [sflag:s21], $0x80  }
0x51: {  	[sflag:s21] =	ssyncset.done $0x0  }
0x52: {  	[sflag:s21] =	ssyncadd.s32 $0xFFFFFF80  }
0x53: {  	[tilespmem:s22], [sflag:$0x4] =	stream.indirect.gather [hbm4b:s4+s17], $0x80, s17, s17, $0xb8;
	[tilespmem:$0x1E500] =	vst v63  }
.Ltmp2:
0x54: {  	_ = 	snop;
	(pc) =	sbr.rel @p0 .LBB2_4-.Ltmp2, $4  }
0x55: {  	_ =	swait.ge [sflag:s23], $0x4000  }
0x56: {  	[sflag:s23] =	ssyncset.done $0x0  }
0x57: {  	[sflag:s23] =	ssyncadd.s32 $0xFFFFC000  }
0x58: {  	[spmem:s2] =	stream.indirect.scatter.add.f32 [tilespmem:s22], [sflag:$0x6], $0x80, s29, s17, $0xb8;
	[tilespmem:$0x1E500] =	vst v63  }
.Ltmp3:
0x59: {  	(pc) =	sbr.rel .LBB2_2-.Ltmp3, $4  }
0x5a: {  	_ = 	snop  }
0x5b: {  	s1 =	sadd.s32 s30, s7  }
0x5c: {  	s29 =	sadd.s32 $0x100, s29;
	s30 =	sadd.s32 $0x20, s30;
	s1 =	sadd.s32 $0x510, s1  }
0x5d: {  	[tilespmem:s17], [sflag:$0x2] =	stream.linear.gather [hbm4b:s1+s3], $0x80, $0x38;
	[tilespmem:$0x1E500] =	vst v63  }
.LBB2_5:
0x5e: {  	_ =	sfence.sel $0x180000  }
0x5f: {  	[bflag:$0x0] =	sbarrier.arrive $0xFFFF  }
0x60: {  	_ =	strace $0x9000004D  }
0x61: {  	[bflag:$0x2] =	sbarrier.arrive $0xFFFF  }
0x62: {  	p0 =	sne.s32 s0, $0x0;
	s0 =	rddreg [dreg:$0x3]  }
0x63: {  	s0 =	sadd.s32 @!p0 $0x100000, s0  }
0x64: {  	[sflag:s0] =	ssyncadd.tile.s32 @!p0 $0x1;
	_ =	shalt  }
.Lfunc_end2:
_tile_overlayer_lowered:
.L_overlay_start_2:
0x65: {  	(tag) =	ssettag $0x2  }
0x66: {  	s0 =	rddreg [dreg:$0x0];
	s2 =	stileid.u32  }
0x67: {  	s1 =	rddreg [dreg:$0x1];
	p0 =	sne.s32 s2, $0x0  }
0x68: {  	s3 =	rddreg [dreg:$0x2];
	[bflag:$0x3] =	sbarrier.arrive $0xFFFF;
	s2 =	simm.s32 @!p0 $0x1C07  }
0x69: {  	[timem:s3], [sflag:s2] =	dma.local @!p0 [hbm:s0], s1  }
0x6a: {  	s0 =	simm.s32 @!p0 $0x7  }
0x6b: {  	_ =	swait.ge @!p0 [sflag:s0], s1  }
0x6c: {  	s1 =	ssub.s32 @!p0 $0x0, s1;
	[sflag:s0] =	ssyncset.done @!p0 $0x0  }
0x6d: {  	[sflag:s0] =	ssyncadd.s32 @!p0 s1  }
0x6e: {  	[bflag:$0x3] =	sbarrier.arrive $0xFFFF  }
0x6f: {  	_ =	shalt  }

// kernel: kernel.8.cloned.1.call-start
scs
__scs_entry_jumppad:
0x0: {  	(pc) =	sbr.rel $0x88, $3  }
0x1: {  	(tag) =	ssettag $0x0;
	lr =	simm.s32 $0x1  }
0x2: {  	[smem:$0x3F93] =	sst lr;
	_ =	strace $0xD0000000  }
0x3: {  	_ = 	snop  }
0x4: {  	_ = 	snop  }
0x5: {  	_ = 	snop  }
0x6: {  	_ = 	snop  }
0x7: {  	_ = 	snop  }
__scs_overlays_trampoline_lowered:
0x8: {  	[smem:$0x3FA2] =	sst s0  }
0x9: {  	[smem:$0x3FA3] =	sst s1  }
0xa: {  	[smem:$0x3FA4] =	sst s2  }
0xb: {  	[smem:$0x3FA5] =	sst s3  }
0xc: {  	[smem:$0x3FA6] =	sst s4  }
0xd: {  	[smem:$0x3FA7] =	sst s5  }
0xe: {  	[smem:$0x3FA8] =	sst s6  }
0xf: {  	[smem:$0x3FA9] =	sst s7  }
0x10: {  	[smem:$0x3FAA] =	sst s8  }
0x11: {  	[smem:$0x3FAB] =	sst s9;
	s0 =	simm.s32 @!p0 $0x0  }
0x12: {  	s1 =	sld [smem:$0x3F91];
	s0 =	simm.s32 @p0 $0x1  }
0x13: {  	[smem:$0x3FAC] =	sst s0;
	s0 =	simm.s32 @!p1 $0x0  }
0x14: {  	s2 =	sld [smem:$0x3F90];
	s0 =	simm.s32 @p1 $0x1  }
0x15: {  	[smem:$0x3FAD] =	sst s0;
	s0 =	simm.s32 @!p2 $0x0  }
0x16: {  	s3 =	sld [smem:$0x3FDB];
	s0 =	simm.s32 @p2 $0x1  }
0x17: {  	s4 =	simm.s32 $0x1BF5;
	[smem:$0x3FAF] =	sst s0  }
0x18: {  	s0 =	sld [smem:$0x3F92];
	_ =	swait.ge [sflag:s4], $0x0  }
0x19: {  	s7 =	sld [smem:$0x3F93]  }
0x1a: {  	s8 =	sadd.s32 $0xFFFFE003, lr  }
0x1b: {  	s9 =	sadd.s32 $0xFFFFFEF7, lr;
	s5 =	simm.s32 $0xFFFFFFFF;
	p2 =	slt.u32 s8, $0xFFFFF086  }
0x1c: {  	p1 =	slt.u32 s9, $0xF7A;
	s5 =	simm.s32 @!p2 $0x0  }
0x1d: {  	s5 =	simm.s32 @p1 $0x1;
	p0 =	seq.s32 s7, s2  }
0x1e: {  	s7 =	smul.u32 @!p0 $0xF7A, s2;
	p2 =	seq.s32 @!p0 s5, $0x0  }
0x1f: {  	s9 =	smul.u32 $0xF7A, s1;
	s8 =	simm.s32 @!p0 $0x1BF5;
	p2 =	por !p2, p0  }
0x20: {  	[sflag:s8] =	ssyncset.s32 @!p0 $0xFFFFF086;
	s6 =	sadd.s32 @!p0 s3, s7;
	s7 =	simm.s32 @!p0 $0x108  }
0x21: {  	s3 =	sadd.s32 s3, s9;
	s6 =	sadd.s32 @!p0 $0x88, s6;
	s7 =	simm.s32 @p2 $0x1082  }
0x22: {  	[simem:s7], [sflag:s8] =	dma.local @!p0 [hbm:s6], $0xF7A  }
0x23: {  	s9 =	sor.u32 $0xD0000000, s2;
	s6 =	simm.s32 $0x108;
	_ =	swait.ge @!p0 [sflag:s8], $0x0  }
0x24: {  	s3 =	sadd.s32 $0x88, s3;
	s6 =	simm.s32 @!p1 $0x1082;
	[sflag:s4] =	ssyncset.s32 $0xFFFFF086  }
0x25: {  	[simem:s6], [sflag:s4] =	dma.local [hbm:s3], $0xF7A  }
0x26: {  	[smem:$0x3F93] =	sst s1;
	(tag) =	ssettag s2;
	_ =	strace s9  }
0x27: {  	s1 =	sld [smem:$0x3FA3]  }
0x28: {  	s2 =	sld [smem:$0x3FA4]  }
0x29: {  	s4 =	sld [smem:$0x3FA6]  }
0x2a: {  	p0 =	seq.s32 s5, $0x0;
	s5 =	sld [smem:$0x3FA7]  }
0x2b: {  	s6 =	sld [smem:$0x3FA8]  }
0x2c: {  	s7 =	sld [smem:$0x3FA9]  }
0x2d: {  	s3 =	simm.s32 $0x108;
	s8 =	sld [smem:$0x3FAA]  }
0x2e: {  	s3 =	simm.s32 @!p0 $0x1082;
	s9 =	sld [smem:$0x3FAB]  }
0x2f: {  	lr =	sadd.s32 s0, s3;
	s0 =	sld [smem:$0x3FA2]  }
0x30: {  	s3 =	sld [smem:$0x3FA5]  }
0x31: {  	[smem:$0x3FAE] =	sst s10  }
0x32: {  	s10 =	sld [smem:$0x3FAC];
	_ =	sdelay $0x3  }
0x33: {  	p0 =	seq.s32 s10, $0x1;
	s10 =	sld [smem:$0x3FAE];
	_ =	sdelay $0x3  }
0x34: {  	[smem:$0x3FAE] =	sst s10  }
0x35: {  	s10 =	sld [smem:$0x3FAD];
	_ =	sdelay $0x3  }
0x36: {  	p1 =	seq.s32 s10, $0x1;
	s10 =	sld [smem:$0x3FAE];
	_ =	sdelay $0x3  }
0x37: {  	[smem:$0x3FAE] =	sst s10  }
0x38: {  	s10 =	sld [smem:$0x3FAF]  }
0x39: {  	_ = 	snop;
	(pc) =	sbr.ind lr, $3  }
0x3a: {  	_ = 	snop  }
0x3b: {  	_ = 	snop  }
0x3c: {  	p2 =	seq.s32 s10, $0x1;
	s10 =	sld [smem:$0x3FAE]  }
0x3d: {  	_ =	shalt  }
0x3e: {  	_ =	shalt  }
0x3f: {  	_ =	shalt  }
0x40: {  	_ =	shalt  }
0x41: {  	_ =	shalt  }
0x42: {  	_ =	shalt  }
0x43: {  	_ =	shalt  }
0x44: {  	_ =	shalt  }
0x45: {  	_ =	shalt  }
0x46: {  	_ =	shalt  }
0x47: {  	_ =	shalt  }
0x48: {  	_ =	shalt  }
0x49: {  	_ =	shalt  }
0x4a: {  	_ =	shalt  }
0x4b: {  	_ =	shalt  }
0x4c: {  	_ =	shalt  }
0x4d: {  	_ =	shalt  }
0x4e: {  	_ =	shalt  }
0x4f: {  	_ =	shalt  }
0x50: {  	_ =	shalt  }
0x51: {  	_ =	shalt  }
0x52: {  	_ =	shalt  }
0x53: {  	_ =	shalt  }
0x54: {  	_ =	shalt  }
0x55: {  	_ =	shalt  }
0x56: {  	_ =	shalt  }
0x57: {  	_ =	shalt  }
0x58: {  	_ =	shalt  }
0x59: {  	_ =	shalt  }
0x5a: {  	_ =	shalt  }
0x5b: {  	_ =	shalt  }
0x5c: {  	_ =	shalt  }
0x5d: {  	_ =	shalt  }
0x5e: {  	_ =	shalt  }
0x5f: {  	_ =	shalt  }
0x60: {  	_ =	shalt  }
0x61: {  	_ =	shalt  }
0x62: {  	_ =	shalt  }
0x63: {  	_ =	shalt  }
0x64: {  	_ =	shalt  }
0x65: {  	_ =	shalt  }
0x66: {  	_ =	shalt  }
0x67: {  	_ =	shalt  }
0x68: {  	_ =	shalt  }
0x69: {  	_ =	shalt  }
0x6a: {  	_ =	shalt  }
0x6b: {  	_ =	shalt  }
0x6c: {  	_ =	shalt  }
0x6d: {  	_ =	shalt  }
0x6e: {  	_ =	shalt  }
0x6f: {  	_ =	shalt  }
0x70: {  	_ =	shalt  }
0x71: {  	_ =	shalt  }
0x72: {  	_ =	shalt  }
0x73: {  	_ =	shalt  }
0x74: {  	_ =	shalt  }
0x75: {  	_ =	shalt  }
0x76: {  	_ =	shalt  }
0x77: {  	_ =	shalt  }
0x78: {  	_ =	shalt  }
0x79: {  	_ =	shalt  }
0x7a: {  	_ =	shalt  }
0x7b: {  	_ =	shalt  }
0x7c: {  	_ =	shalt  }
0x7d: {  	_ =	shalt  }
0x7e: {  	_ =	shalt  }
0x7f: {  	_ =	shalt  }
0x80: {  	_ =	shalt  }
0x81: {  	_ =	shalt  }
0x82: {  	_ =	shalt  }
0x83: {  	_ =	shalt  }
0x84: {  	_ =	shalt  }
0x85: {  	_ =	shalt  }
0x86: {  	_ =	shalt  }
0x87: {  	_ =	shalt  }
.Lfunc_end0:
.L_simem_size_0:
called_computation_lowered:
.L_overlay_start_0:
0x88: {  	s2 =	sld [smem:$0x3FD9]  }
0x89: {  	s3 =	sld [smem:$0x3FFE];
	_ =	sdelay $0x1  }
0x8a: {  	s1 =	srdreg.scid  }
0x8b: {  	s0 =	sand.u32 $0x1, s1  }
0x8c: {  	s17 =	sshll.u32 s0, $0xA;
	s2 =	sadd.s32 s3, s2  }
0x8d: {  	s2 =	sadd.s32 s2, s17  }
0x8e: {  	[smem:$0x3FBA] =	sst s2  }
0x8f: {  	_ = 	snop  }
0x90: {  	(tm) =	ssettm $0x1  }
0x91: {  	s18 =	sld [smem:$0x3FFB];
	_ =	sdelay $0x3  }
0x92: {  	_ =	strace s18  }
0x93: {  	s2 =	sld [smem:$0x3FFC];
	_ =	sdelay $0x3  }
0x94: {  	_ =	strace s2  }
0x95: {  	s2 =	sld [smem:$0x3FFD];
	_ =	sdelay $0x3  }
0x96: {  	_ =	strace s2  }
0x97: {  	_ =	strace $0x8FFFFFFF  }
0x98: {  	s19 =	sld [smem:$0x3FDB];
	_ =	sdelay $0x1  }
0x99: {  	s20 =	simm.s32 $_scs_section_size  }
0x9a: {  	s4 =	simm.s32 $_size__tile_overlayer_lowered;
	s5 =	simm.s32 $_tile_overlayer_lowered  }
0x9b: {  	s6 =	simm.s32 $0x1BFF;
	s21 =	sshll.u32 s5, $0x1;
	s3 =	sadd.s32 s20, s19  }
0x9c: {  	s22 =	simm.s32 $0x0;
	s4 =	sshll.u32 s4, $0x1;
	s5 =	sadd.s32 s21, s3  }
0x9d: {  	[timem:s22], [sflag:s6] =	dma.local [hbm:s5], s4  }
0x9e: {  	_ =	swait.ge [sflag:s6], s4  }
0x9f: {  	s4 =	ssub.s32 $0x0, s4;
	[sflag:s6] =	ssyncset.done $0x0  }
0xa0: {  	[sflag:s6] =	ssyncadd.s32 s4;
	_ =	sdelay $0x1  }
0xa1: {  	s23 =	simm.s32 $0x1B8B  }
0xa2: {  	_ =	swait.ge [sflag:s23], $0x1  }
0xa3: {  	[sflag:s23] =	ssyncset.done $0x0  }
0xa4: {  	[sflag:s23] =	ssyncadd.s32 $0xFFFFFFFF  }
0xa5: {  	s4 =	sld [smem:$0x0]  }
0xa6: {  	s5 =	sand.u32 $0xFFFFFFFE, s1  }
0xa7: {  	p0 =	sne.s32 s1, s5  }
0xa8: {  	s5 =	sshll.u32 @p0 s5, $0xE  }
0xa9: {  	s5 =	sadd.s32 @p0 $0x11B8D, s5;
	s6 =	sshll.u32 @p0 s4, $0x11  }
0xaa: {  	s5 =	sor.u32 @p0 s6, s5  }
0xab: {  	[sflag:s5] =	ssyncadd.remote.s32 @p0 $0x1;
	_ =	sdelay $0x1  }
0xac: {  	s5 =	simm.s32 @p0 $0x1B8D  }
0xad: {  	_ =	swait.eq @p0 [sflag:s5], $0x1  }
0xae: {  	[sflag:s5] =	ssyncadd.s32 @p0 $0xFFFFFFFF  }
0xaf: {  	s6 =	sshll.u32 @!p0 s1, $0xE  }
0xb0: {  	s6 =	sor.u32 @!p0 $0x4000, s6;
	s5 =	simm.s32 @!p0 $0x1B8D  }
0xb1: {  	s4 =	sshll.u32 @!p0 s4, $0x11;
	s6 =	sadd.s32 @!p0 $0x11B8D, s6;
	_ =	swait.eq @!p0 [sflag:s5], $0x1  }
0xb2: {  	s4 =	sor.u32 @!p0 s4, s6;
	[sflag:s5] =	ssyncadd.s32 @!p0 $0xFFFFFFFF  }
0xb3: {  	s25 =	simm.s32 $0x1B8E;
	s24 =	sld [smem:$0x3FFE];
	[sflag:s4] =	ssyncadd.remote.s32 @!p0 $0x1  }
0xb4: {  	s26 =	simm.s32 $execute0_lowered;
	[smem:$0x3FD2] =	sst s25  }
0xb5: {  	s5 =	sshll.u32 s26, $0x1;
	_ =	strace $0x80000049;
	[dreg:$0x1] =	wrdreg $0xFFFFFFFF  }
0xb6: {  	s28 =	simm.s32 $_size_execute0_lowered;
	s3 =	sadd.s32 s3, s5;
	[dreg:$0x0] =	wrdreg $0x0  }
0xb7: {  	s5 =	sshll.u32 s28, $0x1;
	[dreg:$0x2] =	wrdreg s3  }
0xb8: {  	[dreg:$0x3] =	wrdreg s5  }
0xb9: {  	[dreg:$0x4] =	wrdreg $0xC0  }
0xba: {  	_ =	task [dreg:s22], $0x5FFFF  }
0xbb: {  	[dreg:$0x1] =	wrdreg $0xFFFFFFFF  }
0xbc: {  	[dreg:$0x0] =	wrdreg $0x60  }
0xbd: {  	[dreg:$0x2] =	wrdreg s24  }
0xbe: {  	[dreg:$0x3] =	wrdreg $0x68000  }
0xbf: {  	[dreg:$0x4] =	wrdreg $0x9  }
0xc0: {  	_ =	task.clear_ibuf [dreg:s22], $0x5FFFF;
	_ =	strace $0x90000049  }
0xc1: {  	s29 =	simm.s32 $0x9;
	_ =	strace $0x8000004B  }
0xc2: {  	_ =	swait.ge [sflag:s29], $0x1  }
0xc3: {  	[sflag:s29] =	ssyncadd.s32 $0xFFFFFFFF  }
0xc4: {  	_ =	strace $0x9000004B  }
0xc5: {  	_ =	sfence  }
0xc6: {  	s30 =	sld [smem:$0x0];
	_ =	sdelay $0x2  }
0xc7: {  	s31 =	sshll.u32 s1, $0xD;
	s1 =	sshrl.u32 s1, $0x2  }
0xc8: {  	s4 =	sand.u32 $0x4000, s31;
	s1 =	sadd.s32 s1, s30  }
0xc9: {  	s0 =	sor.u32 s4, s0;
	s1 =	sshll.u32 s1, $0x11  }
0xca: {  	s0 =	sor.u32 s1, s0  }
0xcb: {  	s0 =	sadd.s32 $0x8F2B, s0  }
0xcc: {  	[sflag:s0] =	ssyncadd.remote.s32 $0x1  }
0xcd: {  	_ =	sfence.sel $0xFFFF  }
0xce: {  	[dreg:$0x0] =	wrdreg $0xFFFFFFFF;
	(pc) =	sbr.abs _section_cstart, $3  }
0xcf: {  	[dreg:$0x1] =	wrdreg $0xFFFFFFFF  }
0xd0: {  	_ =	task.clear_ibuf [dreg:s22], $0x2FFFF;
	_ =	strace $0x9FFFFFFF  }
0xd1: {  	(tm) =	ssettm $0x7FFFFFFF  }
tec
execute0_lowered:
.L_overlay_start_1:
0x0: {  	(tag) =	ssettag $0x1  }
0x1: {  	s5 =	rddreg [dreg:$0x0]  }
0x2: {  	s0 =	srdreg.scid;
	s2 =	rddreg [dreg:$0x1]  }
0x3: {  	s3 =	simm.s32 $0x0;
	s4 =	sand.u32 $0x1, s0;
	s0 =	stileid.u32  }
0x4: {  	s12 =	simm.s32 $0x2800;
	s13 =	simm.s32 $0x80;
	s7 =	smul.u32 $0x2780, s0  }
0x5: {  	s14 =	simm.s32 $0x0;
	[smem:$0x7FF] =	sst s3;
	s8 =	smul.u32 $0x27800, s4  }
0x6: {  	s1 =	sshll.u32 s4, $0x4;
	s10 =	ssub.s32 $0x2, s4;
	s11 =	smul.u32 $0x4F000, s0  }
0x7: {  	s4 =	sadd.s32 $0xAAC00, s5;
	s31 =	sshll.u32 s0, $0x6;
	s6 =	sor.u32 s0, s1  }
0x8: {  	s1 =	rddreg [dreg:$0x2];
	_ =	strace $0x8000004A;
	s29 =	sshrl.u32 s10, $0x1  }
0x9: {  	s6 =	smul.u32 $0x500, s6;
	s9 =	sadd.s32 s7, s5;
	s7 =	sadd.s32 s7, s8  }
0xa: {  	s8 =	ssub.s32 s10, s29;
	s30 =	sshrl.u32 s11, $0x2;
	s10 =	sor.u32 $0x1C01, s31  }
0xb: {  	s7 =	sadd.s32 s7, s5;
	s11 =	sadd.s32 s30, s2;
	s8 =	smax.u32 s8, $0x1  }
0xc: {  	s6 =	sadd.s32 s6, s5;
	s7 =	sadd.s32 $0xAB400, s7;
	s11 =	sshrl.u32 s11, $0x3  }
0xd: {  	s5 =	sadd.s32 $0x3200, s6;
	s6 =	sadd.s32 $0x34400, s9;
	s9 =	simm.s32 $0x1  }
.LBB2_1:
0xe: {  	[tilespmem:s3], [sflag:$0x1] =	stream.linear.gather [hbm4b:s5+s3], $0x2800, $0x38;
	[tilespmem:$0x1A400] =	vst v63  }
0xf: {  	_ =	swait.ge [sflag:s9], $0x2800  }
0x10: {  	[sflag:s9] =	ssyncset.done $0x0  }
0x11: {  	[sflag:s9] =	ssyncadd.s32 $0xFFFFD800  }
0x12: {  	[spmem:s11], [sflag:s10] =	dma.local [hbm:s6], $0x2780  }
0x13: {  	_ =	swait.ge [sflag:s9], $0x2780  }
0x14: {  	[sflag:s9] =	ssyncset.done $0x0  }
0x15: {  	[sflag:s9] =	ssyncadd.s32 $0xFFFFD880  }
0x16: {  	[tilespmem:s12], [sflag:$0x1] =	stream.linear.gather [hbm4b:s4+s3], $0x4000, $0x38;
	[tilespmem:$0x1A400] =	vst v63  }
0x17: {  	_ =	swait.ge [sflag:s9], $0x4000  }
0x18: {  	[sflag:s9] =	ssyncset.done $0x0  }
0x19: {  	[sflag:s9] =	ssyncadd.s32 $0xFFFFC000  }
0x1a: {  	s15 =	simm.s32 $0x0;
	[bflag:$0x0] =	sbarrier.arrive $0xFFFF  }
0x1b: {  	[spmem:s2] =	stream.indirect.scatter.add.f32 [tilespmem:s12], [sflag:$0x1], $0x80, s15, s13, $0xb8;
	[tilespmem:$0x1A400] =	vst v63  }
0x1c: {  	_ =	swait.ge [sflag:s9], $0x4000  }
0x1d: {  	s15 =	simm.s32 $0x200;
	[sflag:s9] =	ssyncset.done $0x0  }
.LBB2_2:
0x1e: {  	s16 =	sshra.s32 s15, $0x2;
	[sflag:s9] =	ssyncadd.s32 $0xFFFFC000;
	p0 =	sne.s32 s15, $0x9E00  }
0x1f: {  	[spmem:s2] =	stream.indirect.scatter.add.f32 [tilespmem:s12], [sflag:$0x1], $0x80, s16, s13, $0xb8;
	[tilespmem:$0x1A400] =	vst v63  }
.Ltmp0:
0x20: {  	_ = 	snop;
	(pc) =	sbr.rel @p0 .LBB2_2-.Ltmp0, $4  }
0x21: {  	_ = 	snop  }
0x22: {  	s15 =	sadd.s32 $0x200, s15  }
0x23: {  	_ =	swait.ge [sflag:s9], $0x4000  }
0x24: {  	[sflag:s9] =	ssyncset.done $0x0  }
0x25: {  	s14 =	sadd.s32 $0x1, s14  }
0x26: {  	[sflag:s9] =	ssyncadd.s32 $0xFFFFC000;
	p0 =	sne.s32 s14, s8  }
.Ltmp1:
0x27: {  	[bflag:$0x0] =	sbarrier.arrive $0xFFFF;
	(pc) =	sbr.rel @p0 .LBB2_1-.Ltmp1, $4  }
0x28: {  	[hbm:s7], [sflag:s10] =	dma.local [spmem:s11], $0x2780  }
0x29: {  	_ =	swait.ge [sflag:s9], $0x2780  }
0x2a: {  	[sflag:s9] =	ssyncset.done $0x0  }
0x2b: {  	[sflag:s9] =	ssyncadd.s32 $0xFFFFD880  }
0x2c: {  	_ =	sfence.sel $0x180000  }
0x2d: {  	[bflag:$0x0] =	sbarrier.arrive $0xFFFF  }
0x2e: {  	p0 =	sne.s32 s0, $0x0;
	_ =	strace $0x9000004A  }
0x2f: {  	s0 =	sadd.s32 @!p0 $0x100000, s1;
	[bflag:$0x2] =	sbarrier.arrive $0xFFFF  }
0x30: {  	[sflag:s0] =	ssyncadd.tile.s32 @!p0 $0x1;
	_ =	shalt  }
.Lfunc_end2:
_tile_overlayer_lowered:
.L_overlay_start_2:
0x31: {  	(tag) =	ssettag $0x2  }
0x32: {  	s0 =	rddreg [dreg:$0x0];
	s2 =	stileid.u32  }
0x33: {  	s1 =	rddreg [dreg:$0x1];
	p0 =	sne.s32 s2, $0x0  }
0x34: {  	s3 =	rddreg [dreg:$0x2];
	[bflag:$0x3] =	sbarrier.arrive $0xFFFF;
	s2 =	simm.s32 @!p0 $0x1C01  }
0x35: {  	[timem:s3], [sflag:s2] =	dma.local @!p0 [hbm:s0], s1  }
0x36: {  	s0 =	simm.s32 @!p0 $0x1  }
0x37: {  	_ =	swait.ge @!p0 [sflag:s0], s1  }
0x38: {  	s1 =	ssub.s32 @!p0 $0x0, s1;
	[sflag:s0] =	ssyncset.done @!p0 $0x0  }
0x39: {  	[sflag:s0] =	ssyncadd.s32 @!p0 s1  }
0x3a: {  	[bflag:$0x3] =	sbarrier.arrive $0xFFFF  }
0x3b: {  	_ =	shalt  }

</sc_bundles>
